<compile_context>
chip_gen: v7x
topology: tpu7x:2x2x1
jax: 0.10.2.dev20260603
libtpu: 0.0.44.dev20260713+nightly
codegen_flags: <defaults>
</compile_context>

<pallas_src>
import functools

import jax
import jax.numpy as jnp
from jax import lax
from jax.experimental import pallas as pl
from jax.experimental.pallas import tpu as pltpu
from jax.experimental.pallas import tpu_sc as plsc

D_MODEL = 2048
NUM_EXPERTS = 64
TOP_K = 8
N_TOKENS = 16384

BLK = 1024

_NC = 2
_NS = 16
_NW = _NC * _NS
_L = 16


def _router_body(x_ref, w_ref, logits_ref, scores_ref):
    logits = jnp.dot(x_ref[...], w_ref[...], preferred_element_type=jnp.float32)
    logits_ref[...] = logits
    m = jnp.max(logits, axis=-1, keepdims=True)
    e = jnp.exp(logits - m)
    scores_ref[...] = e / jnp.sum(e, axis=-1, keepdims=True)


def _tc_router(x, W_router):
    n_rows = x.shape[0]
    n_blocks = n_rows // BLK
    return pl.pallas_call(
        _router_body,
        grid=(n_blocks,),
        in_specs=[
            pl.BlockSpec((BLK, D_MODEL), lambda i: (i, 0)),
            pl.BlockSpec((D_MODEL, NUM_EXPERTS), lambda i: (0, 0)),
        ],
        out_specs=[
            pl.BlockSpec((BLK, NUM_EXPERTS), lambda i: (i, 0)),
            pl.BlockSpec((BLK, NUM_EXPERTS), lambda i: (i, 0)),
        ],
        out_shape=[
            jax.ShapeDtypeStruct((n_rows, NUM_EXPERTS), jnp.float32),
            jax.ShapeDtypeStruct((n_rows, NUM_EXPERTS), jnp.float32),
        ],
    )(x, W_router)


def _make_sc_topk_body(rows_per_w):
    def _sc_topk_body(scores_hbm, ew_hbm, ei_hbm, cnt_hbm, s_v, ew_v, ei_v,
                      hist_v, sem):
        c = lax.axis_index("c")
        s_id = lax.axis_index("s")
        wid = s_id * _NC + c
        base = wid * rows_per_w

        pltpu.sync_copy(scores_hbm.at[pl.ds(base, rows_per_w)], s_v)

        iota = lax.iota(jnp.int32, _L)
        lane_lt8 = iota < TOP_K
        idx_next = jnp.minimum(iota + 1, _L - 1)
        idx_prev = jnp.maximum(iota - 1, 0)
        zeros16 = jnp.zeros((_L,), jnp.int32)
        ones16 = jnp.ones((_L,), jnp.int32)
        for j in range(NUM_EXPERTS // _L):
            hist_v[pl.ds(_L * j, _L)] = zeros16

        def merge(ka, va, kb, vb, descending):
            mk = jnp.where(lane_lt8, ka, kb)
            mv = jnp.where(lane_lt8, va, vb)
            return plsc.sort_key_val(mk, mv, descending=descending)

        @plsc.parallel_loop(0, rows_per_w, 1, unroll=8)
        def row_body(r):
            ks, vs = [], []
            for j in range(NUM_EXPERTS // _L):
                kj = s_v[r, pl.ds(_L * j, _L)]
                sk, sv = plsc.sort_key_val(
                    kj, iota + _L * j, descending=(j % 2 == 0)
                )
                ks.append(sk)
                vs.append(sv)
            k01, v01 = merge(ks[0], vs[0], ks[1], vs[1], True)
            k23, v23 = merge(ks[2], vs[2], ks[3], vs[3], False)
            kf, vf = merge(k01, v01, k23, v23, True)
            knext = jnp.take_along_axis(kf, idx_next, axis=0)
            kprev = jnp.take_along_axis(kf, idx_prev, axis=0)
            vnext = jnp.take_along_axis(vf, idx_next, axis=0)
            vprev = jnp.take_along_axis(vf, idx_prev, axis=0)
            vf = jnp.where(
                (kf == knext) & (vf > vnext),
                vnext,
                jnp.where((kf == kprev) & (vprev > vf), vprev, vf),
            )
            out_idx = r * TOP_K + iota
            plsc.store_scatter(ew_v, [out_idx], kf, mask=lane_lt8)
            plsc.store_scatter(ei_v, [out_idx], vf, mask=lane_lt8)

        def hist_body(i, carry):
            r16 = i * (4 * _L)
            for u in range(4):
                v = ei_v[pl.ds(r16 + u * _L, _L)]
                plsc.addupdate_scatter(hist_v, [v], ones16)
            return carry

        lax.fori_loop(0, rows_per_w * TOP_K // (4 * _L), hist_body, 0)

        pltpu.sync_copy(ew_v, ew_hbm.at[pl.ds(base * TOP_K, rows_per_w * TOP_K)])
        pltpu.sync_copy(ei_v, ei_hbm.at[pl.ds(base * TOP_K, rows_per_w * TOP_K)])
        pltpu.sync_copy(hist_v, cnt_hbm.at[wid])

    return _sc_topk_body


@functools.cache
def _sc_topk(n_rows):
    rows_per_w = n_rows // _NW
    return pl.kernel(
        _make_sc_topk_body(rows_per_w),
        out_type=[
            jax.ShapeDtypeStruct((n_rows * TOP_K,), jnp.float32),
            jax.ShapeDtypeStruct((n_rows * TOP_K,), jnp.int32),
            jax.ShapeDtypeStruct((_NW, NUM_EXPERTS), jnp.int32),
        ],
        mesh=plsc.VectorSubcoreMesh(
            core_axis_name="c", subcore_axis_name="s",
            num_cores=_NC, num_subcores=_NS,
        ),
        compiler_params=pltpu.CompilerParams(needs_layout_passes=False),
        scratch_types=[
            pltpu.VMEM((rows_per_w, NUM_EXPERTS), jnp.float32),
            pltpu.VMEM((rows_per_w * TOP_K,), jnp.float32),
            pltpu.VMEM((rows_per_w * TOP_K,), jnp.int32),
            pltpu.VMEM((NUM_EXPERTS,), jnp.int32),
            pltpu.SemaphoreType.DMA,
        ],
    )


def kernel(x, W_router):
    logits, scores = _tc_router(x, W_router)
    ew_flat, ei_flat, cnt_p = _sc_topk(N_TOKENS)(scores)
    ew = ew_flat.reshape(N_TOKENS, TOP_K)
    ei = ei_flat.reshape(N_TOKENS, TOP_K)
    cnt = jnp.sum(cnt_p, axis=0, dtype=jnp.int32)
    return (logits, scores, ew, ei, cnt)

# --- scband reference (transcript-rebuilt; emitter-appended) ---
"""Pipeline reference for scband-mo-erouter-34385508172481 (READ-ONLY COPY).

The authoritative reference and input builder live on the scoring server;
editing this copy changes nothing except your own understanding.
"""

import jax, jax.numpy as jnp
import numpy as np

D_MODEL = 2048
NUM_EXPERTS = 64
TOP_K = 8
N_TOKENS = 16384


def setup_inputs(seed: int = 0) -> dict:
    key = jax.random.key(seed)
    k_x, k_w = jax.random.split(key)
    x = jax.random.normal(k_x, (N_TOKENS, D_MODEL), dtype=jnp.float32)
    # Learned router projection (concrete subclass uses a Linear(d_model, num_experts, bias=False))
    W_router = jax.random.normal(k_w, (D_MODEL, NUM_EXPERTS), dtype=jnp.float32) * 0.02
    return {"x": x, "W_router": W_router}


def reference(x, W_router):
    # eval mode: jitter disabled (jitter_eps=None / not training)
    # get_expert_logits: linear projection to num_experts
    logits = jnp.dot(x, W_router).reshape(-1, NUM_EXPERTS)
    scores = jax.nn.softmax(logits, axis=-1)
    # bias_gamma is None -> plain top-k over scores
    expert_weights, expert_indices = jax.lax.top_k(scores, TOP_K)
    # normalize_expert_weights is None -> no normalization
    # uniform_expert_assignment is False -> keep indices
    # histc over expert indices
    batch_size_per_expert = jnp.bincount(
        expert_indices.reshape(-1).astype(jnp.int32), length=NUM_EXPERTS
    ).astype(jnp.int32)
    return (logits, scores, expert_weights, expert_indices, batch_size_per_expert)

if __name__ == "__main__":
    import jax
    _d = setup_inputs()
    print(jax.jit(kernel)(*tuple(_d.values())))

</pallas_src>

<mosaic_0001>
#map = affine_map<(d0, d1) -> (0, 0)>
#map1 = affine_map<(d0, d1) -> (0)>
module attributes {stable_mosaic.version = 14 : i64} {
  func.func @_sc_topk_body(%arg0: i32, %arg1: i32, %arg2: memref<16384x64xf32, #tpu.memory_space<hbm>>, %arg3: memref<131072xf32, #tpu.memory_space<hbm>>, %arg4: memref<131072xi32, #tpu.memory_space<hbm>>, %arg5: memref<32x64xi32, #tpu.memory_space<hbm>>, %arg6: memref<512x64xf32, #tpu.memory_space<vmem>>, %arg7: memref<4096xf32, #tpu.memory_space<vmem>>, %arg8: memref<4096xi32, #tpu.memory_space<vmem>>, %arg9: memref<64xi32, #tpu.memory_space<vmem>>, %arg10: memref<!tpu.dma_semaphore, #tpu.memory_space<semaphore_mem>>) attributes {dimension_semantics = [#tpu.dimension_semantics<core_parallel>, #tpu.dimension_semantics<subcore_parallel>], iteration_bounds = array<i64: 2, 16>, scalar_prefetch = 0 : i64, scratch_operands = 5 : i64, tpu.core_type = #tpu.core_type<sc_vector_subcore>, window_params = [{transform_indices = #map}, {transform_indices = #map1}, {transform_indices = #map1}, {transform_indices = #map}]} {
    %mul3A = arith.constant 2 : i32
    %mul3A_0 = arith.muli %arg1, %mul3A : i32
    %add3A = arith.addi %mul3A_0, %arg0 : i32
    %mul3A_1 = arith.constant 512 : i32
    %mul3A_2 = arith.muli %add3A, %mul3A_1 : i32
    "tpu.region"() ({
      %run_scoped3A = tpu.sem_alloc : memref<!tpu.dma_semaphore, #tpu.memory_space<semaphore_mem>>
      %dma_start3A = arith.constant 0 : i32
      %dma_start3A_35 = tpu.memref_slice %arg2[%mul3A_2, %dma_start3A] : memref<16384x64xf32, #tpu.memory_space<hbm>> -> memref<512x64xf32, #tpu.memory_space<hbm>>
      %dma_start3A_36 = arith.constant 0 : i32
      %dma_start3A_37 = tpu.memref_slice %arg2[%mul3A_2, %dma_start3A_36] : memref<16384x64xf32, #tpu.memory_space<hbm>> -> memref<512x64xf32, #tpu.memory_space<hbm>>
      tpu.enqueue_dma source(%dma_start3A_37 : memref<512x64xf32, #tpu.memory_space<hbm>>) target(%arg6 : memref<512x64xf32, #tpu.memory_space<vmem>>) target_semaphore(%run_scoped3A : memref<!tpu.dma_semaphore, #tpu.memory_space<semaphore_mem>>)
      %dma_wait3A = arith.constant 0 : i32
      %dma_wait3A_38 = tpu.memref_slice %arg2[%mul3A_2, %dma_wait3A] : memref<16384x64xf32, #tpu.memory_space<hbm>> -> memref<512x64xf32, #tpu.memory_space<hbm>>
      %dma_wait3A_39 = arith.constant 0 : i32
      %dma_wait3A_40 = tpu.memref_slice %arg2[%mul3A_2, %dma_wait3A_39] : memref<16384x64xf32, #tpu.memory_space<hbm>> -> memref<512x64xf32, #tpu.memory_space<hbm>>
      tpu.wait_dma2 semaphore(%run_scoped3A : memref<!tpu.dma_semaphore, #tpu.memory_space<semaphore_mem>>) src(%dma_wait3A_40 : memref<512x64xf32, #tpu.memory_space<hbm>>) dst(%arg6 : memref<512x64xf32, #tpu.memory_space<vmem>>)
      tpu.yield
    }) : () -> ()
    %iota3A = tpu.iota {dimensions = array<i32: 0>} : vector<16xi32>
    %lt3A = arith.constant 8 : i32
    %lt3A_3 = vector.broadcast %lt3A : i32 to vector<16xi32>
    %lt3A_4 = arith.cmpi slt, %iota3A, %lt3A_3 : vector<16xi32>
    %add3A_5 = arith.constant 1 : i32
    %add3A_6 = vector.broadcast %add3A_5 : i32 to vector<16xi32>
    %add3A_7 = arith.addi %iota3A, %add3A_6 : vector<16xi32>
    %min3A = arith.constant 15 : i32
    %min3A_8 = vector.broadcast %min3A : i32 to vector<16xi32>
    %min3A_9 = arith.minsi %add3A_7, %min3A_8 : vector<16xi32>
    %sub3A = arith.constant 1 : i32
    %sub3A_10 = vector.broadcast %sub3A : i32 to vector<16xi32>
    %sub3A_11 = arith.subi %iota3A, %sub3A_10 : vector<16xi32>
    %max3A = arith.constant 0 : i32
    %max3A_12 = vector.broadcast %max3A : i32 to vector<16xi32>
    %max3A_13 = arith.maxsi %sub3A_11, %max3A_12 : vector<16xi32>
    %broadcast_in_dim3A = arith.constant 0 : i32
    %broadcast_in_dim3A_14 = vector.broadcast %broadcast_in_dim3A : i32 to vector<16xi32>
    %broadcast_in_dim3A_15 = arith.constant 1 : i32
    %broadcast_in_dim3A_16 = vector.broadcast %broadcast_in_dim3A_15 : i32 to vector<16xi32>
    %swap3A = arith.constant 0 : index
    %swap3A_17 = tpu.vector_load %arg9[%swap3A] {strides = array<i32>} : memref<64xi32, #tpu.memory_space<vmem>>, vector<16xi32>,
    tpu.vector_store %arg9[%swap3A], %broadcast_in_dim3A_14 {strides = array<i32>} : memref<64xi32, #tpu.memory_space<vmem>>, vector<16xi32>,
    %swap3A_18 = arith.constant 16 : index
    %swap3A_19 = tpu.vector_load %arg9[%swap3A_18] {strides = array<i32>} : memref<64xi32, #tpu.memory_space<vmem>>, vector<16xi32>,
    tpu.vector_store %arg9[%swap3A_18], %broadcast_in_dim3A_14 {strides = array<i32>} : memref<64xi32, #tpu.memory_space<vmem>>, vector<16xi32>,
    %swap3A_20 = arith.constant 32 : index
    %swap3A_21 = tpu.vector_load %arg9[%swap3A_20] {strides = array<i32>} : memref<64xi32, #tpu.memory_space<vmem>>, vector<16xi32>,
    tpu.vector_store %arg9[%swap3A_20], %broadcast_in_dim3A_14 {strides = array<i32>} : memref<64xi32, #tpu.memory_space<vmem>>, vector<16xi32>,
    %swap3A_22 = arith.constant 48 : index
    %swap3A_23 = tpu.vector_load %arg9[%swap3A_22] {strides = array<i32>} : memref<64xi32, #tpu.memory_space<vmem>>, vector<16xi32>,
    tpu.vector_store %arg9[%swap3A_22], %broadcast_in_dim3A_14 {strides = array<i32>} : memref<64xi32, #tpu.memory_space<vmem>>, vector<16xi32>,
    %parallel_loop3A = arith.constant 0 : i32
    %parallel_loop3A_24 = arith.constant 512 : i32
    %parallel_loop3A_25 = arith.constant 1 : i32
    scf.for %parallel_loop3A_35 = %parallel_loop3A to %parallel_loop3A_24 step %parallel_loop3A_25  : i32 {
      %parallel_loop3A_36 = arith.index_cast %parallel_loop3A_35 : i32 to index
      %parallel_loop3A_37 = arith.constant 0 : index
      %parallel_loop3A_38 = tpu.vector_load %arg6[%parallel_loop3A_36, %parallel_loop3A_37] {strides = array<i32>} : memref<512x64xf32, #tpu.memory_space<vmem>>, vector<16xf32>,
      %parallel_loop3A_39 = arith.constant 0 : i32
      %parallel_loop3A_40 = vector.broadcast %parallel_loop3A_39 : i32 to vector<16xi32>
      %parallel_loop3A_41 = arith.addi %iota3A, %parallel_loop3A_40 : vector<16xi32>
      %parallel_loop3A_42 = arith.constant dense<true> : vector<16xi1>
      %parallel_loop3A_43, %parallel_loop3A_44, %parallel_loop3A_45 = tpu.sort %parallel_loop3A_38, %parallel_loop3A_41 masked %parallel_loop3A_42 {descending = true} : (vector<16xf32>, vector<16xi32>, vector<16xi1>) -> (vector<16xi1>, vector<16xf32>, vector<16xi32>)
      %parallel_loop3A_46 = arith.index_cast %parallel_loop3A_35 : i32 to index
      %parallel_loop3A_47 = arith.constant 16 : index
      %parallel_loop3A_48 = tpu.vector_load %arg6[%parallel_loop3A_46, %parallel_loop3A_47] {strides = array<i32>} : memref<512x64xf32, #tpu.memory_space<vmem>>, vector<16xf32>,
      %parallel_loop3A_49 = arith.constant 16 : i32
      %parallel_loop3A_50 = vector.broadcast %parallel_loop3A_49 : i32 to vector<16xi32>
      %parallel_loop3A_51 = arith.addi %iota3A, %parallel_loop3A_50 : vector<16xi32>
      %parallel_loop3A_52 = arith.constant dense<true> : vector<16xi1>
      %parallel_loop3A_53, %parallel_loop3A_54, %parallel_loop3A_55 = tpu.sort %parallel_loop3A_48, %parallel_loop3A_51 masked %parallel_loop3A_52 : (vector<16xf32>, vector<16xi32>, vector<16xi1>) -> (vector<16xi1>, vector<16xf32>, vector<16xi32>)
      %parallel_loop3A_56 = arith.index_cast %parallel_loop3A_35 : i32 to index
      %parallel_loop3A_57 = arith.constant 32 : index
      %parallel_loop3A_58 = tpu.vector_load %arg6[%parallel_loop3A_56, %parallel_loop3A_57] {strides = array<i32>} : memref<512x64xf32, #tpu.memory_space<vmem>>, vector<16xf32>,
      %parallel_loop3A_59 = arith.constant 32 : i32
      %parallel_loop3A_60 = vector.broadcast %parallel_loop3A_59 : i32 to vector<16xi32>
      %parallel_loop3A_61 = arith.addi %iota3A, %parallel_loop3A_60 : vector<16xi32>
      %parallel_loop3A_62 = arith.constant dense<true> : vector<16xi1>
      %parallel_loop3A_63, %parallel_loop3A_64, %parallel_loop3A_65 = tpu.sort %parallel_loop3A_58, %parallel_loop3A_61 masked %parallel_loop3A_62 {descending = true} : (vector<16xf32>, vector<16xi32>, vector<16xi1>) -> (vector<16xi1>, vector<16xf32>, vector<16xi32>)
      %parallel_loop3A_66 = arith.index_cast %parallel_loop3A_35 : i32 to index
      %parallel_loop3A_67 = arith.constant 48 : index
      %parallel_loop3A_68 = tpu.vector_load %arg6[%parallel_loop3A_66, %parallel_loop3A_67] {strides = array<i32>} : memref<512x64xf32, #tpu.memory_space<vmem>>, vector<16xf32>,
      %parallel_loop3A_69 = arith.constant 48 : i32
      %parallel_loop3A_70 = vector.broadcast %parallel_loop3A_69 : i32 to vector<16xi32>
      %parallel_loop3A_71 = arith.addi %iota3A, %parallel_loop3A_70 : vector<16xi32>
      %parallel_loop3A_72 = arith.constant dense<true> : vector<16xi1>
      %parallel_loop3A_73, %parallel_loop3A_74, %parallel_loop3A_75 = tpu.sort %parallel_loop3A_68, %parallel_loop3A_71 masked %parallel_loop3A_72 : (vector<16xf32>, vector<16xi32>, vector<16xi1>) -> (vector<16xi1>, vector<16xf32>, vector<16xi32>)
      %parallel_loop3A_76 = arith.select %lt3A_4, %parallel_loop3A_44, %parallel_loop3A_54 : vector<16xi1>, vector<16xf32>
      %parallel_loop3A_77 = arith.select %lt3A_4, %parallel_loop3A_45, %parallel_loop3A_55 : vector<16xi1>, vector<16xi32>
      %parallel_loop3A_78 = arith.constant dense<true> : vector<16xi1>
      %parallel_loop3A_79, %parallel_loop3A_80, %parallel_loop3A_81 = tpu.sort %parallel_loop3A_76, %parallel_loop3A_77 masked %parallel_loop3A_78 {descending = true} : (vector<16xf32>, vector<16xi32>, vector<16xi1>) -> (vector<16xi1>, vector<16xf32>, vector<16xi32>)
      %parallel_loop3A_82 = arith.select %lt3A_4, %parallel_loop3A_64, %parallel_loop3A_74 : vector<16xi1>, vector<16xf32>
      %parallel_loop3A_83 = arith.select %lt3A_4, %parallel_loop3A_65, %parallel_loop3A_75 : vector<16xi1>, vector<16xi32>
      %parallel_loop3A_84 = arith.constant dense<true> : vector<16xi1>
      %parallel_loop3A_85, %parallel_loop3A_86, %parallel_loop3A_87 = tpu.sort %parallel_loop3A_82, %parallel_loop3A_83 masked %parallel_loop3A_84 : (vector<16xf32>, vector<16xi32>, vector<16xi1>) -> (vector<16xi1>, vector<16xf32>, vector<16xi32>)
      %parallel_loop3A_88 = arith.select %lt3A_4, %parallel_loop3A_80, %parallel_loop3A_86 : vector<16xi1>, vector<16xf32>
      %parallel_loop3A_89 = arith.select %lt3A_4, %parallel_loop3A_81, %parallel_loop3A_87 : vector<16xi1>, vector<16xi32>
      %parallel_loop3A_90 = arith.constant dense<true> : vector<16xi1>
      %parallel_loop3A_91, %parallel_loop3A_92, %parallel_loop3A_93 = tpu.sort %parallel_loop3A_88, %parallel_loop3A_89 masked %parallel_loop3A_90 {descending = true} : (vector<16xf32>, vector<16xi32>, vector<16xi1>) -> (vector<16xi1>, vector<16xf32>, vector<16xi32>)
      %parallel_loop3A_94 = arith.constant 0 : i32
      %parallel_loop3A_95 = vector.broadcast %parallel_loop3A_94 : i32 to vector<16xi32>
      %parallel_loop3A_96 = arith.cmpi slt, %min3A_9, %parallel_loop3A_95 : vector<16xi32>
      %parallel_loop3A_97 = arith.constant 16 : i32
      %parallel_loop3A_98 = vector.broadcast %parallel_loop3A_97 : i32 to vector<16xi32>
      %parallel_loop3A_99 = arith.addi %min3A_9, %parallel_loop3A_98 : vector<16xi32>
      %parallel_loop3A_100 = arith.select %parallel_loop3A_96, %parallel_loop3A_99, %min3A_9 : vector<16xi1>, vector<16xi32>
      %parallel_loop3A_101 = vector.shape_cast %parallel_loop3A_100 : vector<16xi32> to vector<16x1xi32>
      %parallel_loop3A_102 = vector.shape_cast %parallel_loop3A_101 : vector<16x1xi32> to vector<16xi32>
      %parallel_loop3A_103 = tpu.dynamic_gather %parallel_loop3A_92[%parallel_loop3A_102] in [0] : vector<16xf32>, vector<16xi32> -> vector<16xf32>
      %parallel_loop3A_104 = arith.constant 0 : i32
      %parallel_loop3A_105 = vector.broadcast %parallel_loop3A_104 : i32 to vector<16xi32>
      %parallel_loop3A_106 = arith.cmpi slt, %max3A_13, %parallel_loop3A_105 : vector<16xi32>
      %parallel_loop3A_107 = arith.constant 16 : i32
      %parallel_loop3A_108 = vector.broadcast %parallel_loop3A_107 : i32 to vector<16xi32>
      %parallel_loop3A_109 = arith.addi %max3A_13, %parallel_loop3A_108 : vector<16xi32>
      %parallel_loop3A_110 = arith.select %parallel_loop3A_106, %parallel_loop3A_109, %max3A_13 : vector<16xi1>, vector<16xi32>
      %parallel_loop3A_111 = vector.shape_cast %parallel_loop3A_110 : vector<16xi32> to vector<16x1xi32>
      %parallel_loop3A_112 = vector.shape_cast %parallel_loop3A_111 : vector<16x1xi32> to vector<16xi32>
      %parallel_loop3A_113 = tpu.dynamic_gather %parallel_loop3A_92[%parallel_loop3A_112] in [0] : vector<16xf32>, vector<16xi32> -> vector<16xf32>
      %parallel_loop3A_114 = arith.constant 0 : i32
      %parallel_loop3A_115 = vector.broadcast %parallel_loop3A_114 : i32 to vector<16xi32>
      %parallel_loop3A_116 = arith.cmpi slt, %min3A_9, %parallel_loop3A_115 : vector<16xi32>
      %parallel_loop3A_117 = arith.constant 16 : i32
      %parallel_loop3A_118 = vector.broadcast %parallel_loop3A_117 : i32 to vector<16xi32>
      %parallel_loop3A_119 = arith.addi %min3A_9, %parallel_loop3A_118 : vector<16xi32>
      %parallel_loop3A_120 = arith.select %parallel_loop3A_116, %parallel_loop3A_119, %min3A_9 : vector<16xi1>, vector<16xi32>
      %parallel_loop3A_121 = vector.shape_cast %parallel_loop3A_120 : vector<16xi32> to vector<16x1xi32>
      %parallel_loop3A_122 = vector.shape_cast %parallel_loop3A_121 : vector<16x1xi32> to vector<16xi32>
      %parallel_loop3A_123 = tpu.dynamic_gather %parallel_loop3A_93[%parallel_loop3A_122] in [0] : vector<16xi32>, vector<16xi32> -> vector<16xi32>
      %parallel_loop3A_124 = arith.constant 0 : i32
      %parallel_loop3A_125 = vector.broadcast %parallel_loop3A_124 : i32 to vector<16xi32>
      %parallel_loop3A_126 = arith.cmpi slt, %max3A_13, %parallel_loop3A_125 : vector<16xi32>
      %parallel_loop3A_127 = arith.constant 16 : i32
      %parallel_loop3A_128 = vector.broadcast %parallel_loop3A_127 : i32 to vector<16xi32>
      %parallel_loop3A_129 = arith.addi %max3A_13, %parallel_loop3A_128 : vector<16xi32>
      %parallel_loop3A_130 = arith.select %parallel_loop3A_126, %parallel_loop3A_129, %max3A_13 : vector<16xi1>, vector<16xi32>
      %parallel_loop3A_131 = vector.shape_cast %parallel_loop3A_130 : vector<16xi32> to vector<16x1xi32>
      %parallel_loop3A_132 = vector.shape_cast %parallel_loop3A_131 : vector<16x1xi32> to vector<16xi32>
      %parallel_loop3A_133 = tpu.dynamic_gather %parallel_loop3A_93[%parallel_loop3A_132] in [0] : vector<16xi32>, vector<16xi32> -> vector<16xi32>
      %parallel_loop3A_134 = arith.cmpf oeq, %parallel_loop3A_92, %parallel_loop3A_103 : vector<16xf32>
      %parallel_loop3A_135 = arith.cmpi sgt, %parallel_loop3A_93, %parallel_loop3A_123 : vector<16xi32>
      %parallel_loop3A_136 = arith.andi %parallel_loop3A_134, %parallel_loop3A_135 : vector<16xi1>
      %parallel_loop3A_137 = arith.cmpf oeq, %parallel_loop3A_92, %parallel_loop3A_113 : vector<16xf32>
      %parallel_loop3A_138 = arith.cmpi sgt, %parallel_loop3A_133, %parallel_loop3A_93 : vector<16xi32>
      %parallel_loop3A_139 = arith.andi %parallel_loop3A_137, %parallel_loop3A_138 : vector<16xi1>
      %parallel_loop3A_140 = arith.select %parallel_loop3A_139, %parallel_loop3A_133, %parallel_loop3A_93 : vector<16xi1>, vector<16xi32>
      %parallel_loop3A_141 = arith.select %parallel_loop3A_136, %parallel_loop3A_123, %parallel_loop3A_140 : vector<16xi1>, vector<16xi32>
      %parallel_loop3A_142 = arith.constant 8 : i32
      %parallel_loop3A_143 = arith.muli %parallel_loop3A_35, %parallel_loop3A_142 : i32
      %parallel_loop3A_144 = vector.broadcast %parallel_loop3A_143 : i32 to vector<16xi32>
      %parallel_loop3A_145 = arith.addi %parallel_loop3A_144, %iota3A : vector<16xi32>
      tpu.vector_store_idx %arg7[%parallel_loop3A_145], %parallel_loop3A_92 masked %lt3A_4 : memref<4096xf32, #tpu.memory_space<vmem>>[vector<16xi32>], vector<16xf32>, vector<16xi1>
      tpu.vector_store_idx %arg8[%parallel_loop3A_145], %parallel_loop3A_141 masked %lt3A_4 : memref<4096xi32, #tpu.memory_space<vmem>>[vector<16xi32>], vector<16xi32>, vector<16xi1>
    } {sc.loop_unroll_factor = 8 : i64, sc.parallel_access}
    %scan3A = arith.constant 0 : i32
    %scan3A_26 = arith.constant 0 : i32
    %scan3A_27 = arith.constant 64 : i32
    %scan3A_28 = arith.addi %scan3A_26, %scan3A_27 : i32
    %scan3A_29 = arith.constant 1 : i32
    scf.for %scan3A_35 = %scan3A_26 to %scan3A_28 step %scan3A_29  : i32 {
      %mul3A_36 = arith.constant 64 : i32
      %mul3A_37 = arith.muli %scan3A_35, %mul3A_36 : i32
      %add3A_38 = arith.constant 0 : i32
      %add3A_39 = arith.addi %mul3A_37, %add3A_38 : i32
      %get3A = arith.index_cast %add3A_39 : i32 to index
      %get3A_40 = tpu.vector_load %arg8[%get3A] {strides = array<i32>} : memref<4096xi32, #tpu.memory_space<vmem>>, vector<16xi32>,
      tpu.vector_store_idx %arg9[%get3A_40], %broadcast_in_dim3A_16 {add = true} : memref<64xi32, #tpu.memory_space<vmem>>[vector<16xi32>], vector<16xi32>,
      %add3A_41 = arith.constant 16 : i32
      %add3A_42 = arith.addi %mul3A_37, %add3A_41 : i32
      %get3A_43 = arith.index_cast %add3A_42 : i32 to index
      %get3A_44 = tpu.vector_load %arg8[%get3A_43] {strides = array<i32>} : memref<4096xi32, #tpu.memory_space<vmem>>, vector<16xi32>,
      tpu.vector_store_idx %arg9[%get3A_44], %broadcast_in_dim3A_16 {add = true} : memref<64xi32, #tpu.memory_space<vmem>>[vector<16xi32>], vector<16xi32>,
      %add3A_45 = arith.constant 32 : i32
      %add3A_46 = arith.addi %mul3A_37, %add3A_45 : i32
      %get3A_47 = arith.index_cast %add3A_46 : i32 to index
      %get3A_48 = tpu.vector_load %arg8[%get3A_47] {strides = array<i32>} : memref<4096xi32, #tpu.memory_space<vmem>>, vector<16xi32>,
      tpu.vector_store_idx %arg9[%get3A_48], %broadcast_in_dim3A_16 {add = true} : memref<64xi32, #tpu.memory_space<vmem>>[vector<16xi32>], vector<16xi32>,
      %add3A_49 = arith.constant 48 : i32
      %add3A_50 = arith.addi %mul3A_37, %add3A_49 : i32
      %get3A_51 = arith.index_cast %add3A_50 : i32 to index
      %get3A_52 = tpu.vector_load %arg8[%get3A_51] {strides = array<i32>} : memref<4096xi32, #tpu.memory_space<vmem>>, vector<16xi32>,
      tpu.vector_store_idx %arg9[%get3A_52], %broadcast_in_dim3A_16 {add = true} : memref<64xi32, #tpu.memory_space<vmem>>[vector<16xi32>], vector<16xi32>,
    }
    %scan3A_30 = arith.constant 64 : i32
    %mul3A_31 = arith.constant 8 : i32
    %mul3A_32 = arith.muli %mul3A_2, %mul3A_31 : i32
    "tpu.region"() ({
      %run_scoped3A = tpu.sem_alloc : memref<!tpu.dma_semaphore, #tpu.memory_space<semaphore_mem>>
      %dma_start3A = tpu.memref_slice %arg3[%mul3A_32] : memref<131072xf32, #tpu.memory_space<hbm>> -> memref<4096xf32, #tpu.memory_space<hbm>>
      %dma_start3A_35 = tpu.memref_slice %arg3[%mul3A_32] : memref<131072xf32, #tpu.memory_space<hbm>> -> memref<4096xf32, #tpu.memory_space<hbm>>
      tpu.enqueue_dma source(%arg7 : memref<4096xf32, #tpu.memory_space<vmem>>) target(%dma_start3A_35 : memref<4096xf32, #tpu.memory_space<hbm>>) target_semaphore(%run_scoped3A : memref<!tpu.dma_semaphore, #tpu.memory_space<semaphore_mem>>)
      %dma_wait3A = tpu.memref_slice %arg3[%mul3A_32] : memref<131072xf32, #tpu.memory_space<hbm>> -> memref<4096xf32, #tpu.memory_space<hbm>>
      %dma_wait3A_36 = tpu.memref_slice %arg3[%mul3A_32] : memref<131072xf32, #tpu.memory_space<hbm>> -> memref<4096xf32, #tpu.memory_space<hbm>>
      tpu.wait_dma2 semaphore(%run_scoped3A : memref<!tpu.dma_semaphore, #tpu.memory_space<semaphore_mem>>) src(%arg7 : memref<4096xf32, #tpu.memory_space<vmem>>) dst(%dma_wait3A_36 : memref<4096xf32, #tpu.memory_space<hbm>>)
      tpu.yield
    }) : () -> ()
    %mul3A_33 = arith.constant 8 : i32
    %mul3A_34 = arith.muli %mul3A_2, %mul3A_33 : i32
    "tpu.region"() ({
      %run_scoped3A = tpu.sem_alloc : memref<!tpu.dma_semaphore, #tpu.memory_space<semaphore_mem>>
      %dma_start3A = tpu.memref_slice %arg4[%mul3A_34] : memref<131072xi32, #tpu.memory_space<hbm>> -> memref<4096xi32, #tpu.memory_space<hbm>>
      %dma_start3A_35 = tpu.memref_slice %arg4[%mul3A_34] : memref<131072xi32, #tpu.memory_space<hbm>> -> memref<4096xi32, #tpu.memory_space<hbm>>
      tpu.enqueue_dma source(%arg8 : memref<4096xi32, #tpu.memory_space<vmem>>) target(%dma_start3A_35 : memref<4096xi32, #tpu.memory_space<hbm>>) target_semaphore(%run_scoped3A : memref<!tpu.dma_semaphore, #tpu.memory_space<semaphore_mem>>)
      %dma_wait3A = tpu.memref_slice %arg4[%mul3A_34] : memref<131072xi32, #tpu.memory_space<hbm>> -> memref<4096xi32, #tpu.memory_space<hbm>>
      %dma_wait3A_36 = tpu.memref_slice %arg4[%mul3A_34] : memref<131072xi32, #tpu.memory_space<hbm>> -> memref<4096xi32, #tpu.memory_space<hbm>>
      tpu.wait_dma2 semaphore(%run_scoped3A : memref<!tpu.dma_semaphore, #tpu.memory_space<semaphore_mem>>) src(%arg8 : memref<4096xi32, #tpu.memory_space<vmem>>) dst(%dma_wait3A_36 : memref<4096xi32, #tpu.memory_space<hbm>>)
      tpu.yield
    }) : () -> ()
    "tpu.region"() ({
      %run_scoped3A = tpu.sem_alloc : memref<!tpu.dma_semaphore, #tpu.memory_space<semaphore_mem>>
      %dma_start3A = arith.constant 0 : i32
      %dma_start3A_35 = tpu.memref_slice %arg5[%add3A, %dma_start3A] : memref<32x64xi32, #tpu.memory_space<hbm>> -> memref<1x64xi32, #tpu.memory_space<hbm>>
      %dma_start3A_36 = tpu.memref_squeeze %dma_start3A_35 : memref<1x64xi32, #tpu.memory_space<hbm>> -> memref<64xi32, #tpu.memory_space<hbm>>
      %dma_start3A_37 = arith.constant 0 : i32
      %dma_start3A_38 = tpu.memref_slice %arg5[%add3A, %dma_start3A_37] : memref<32x64xi32, #tpu.memory_space<hbm>> -> memref<1x64xi32, #tpu.memory_space<hbm>>
      %dma_start3A_39 = tpu.memref_squeeze %dma_start3A_38 : memref<1x64xi32, #tpu.memory_space<hbm>> -> memref<64xi32, #tpu.memory_space<hbm>>
      tpu.enqueue_dma source(%arg9 : memref<64xi32, #tpu.memory_space<vmem>>) target(%dma_start3A_39 : memref<64xi32, #tpu.memory_space<hbm>>) target_semaphore(%run_scoped3A : memref<!tpu.dma_semaphore, #tpu.memory_space<semaphore_mem>>)
      %dma_wait3A = arith.constant 0 : i32
      %dma_wait3A_40 = tpu.memref_slice %arg5[%add3A, %dma_wait3A] : memref<32x64xi32, #tpu.memory_space<hbm>> -> memref<1x64xi32, #tpu.memory_space<hbm>>
      %dma_wait3A_41 = tpu.memref_squeeze %dma_wait3A_40 : memref<1x64xi32, #tpu.memory_space<hbm>> -> memref<64xi32, #tpu.memory_space<hbm>>
      %dma_wait3A_42 = arith.constant 0 : i32
      %dma_wait3A_43 = tpu.memref_slice %arg5[%add3A, %dma_wait3A_42] : memref<32x64xi32, #tpu.memory_space<hbm>> -> memref<1x64xi32, #tpu.memory_space<hbm>>
      %dma_wait3A_44 = tpu.memref_squeeze %dma_wait3A_43 : memref<1x64xi32, #tpu.memory_space<hbm>> -> memref<64xi32, #tpu.memory_space<hbm>>
      tpu.wait_dma2 semaphore(%run_scoped3A : memref<!tpu.dma_semaphore, #tpu.memory_space<semaphore_mem>>) src(%arg9 : memref<64xi32, #tpu.memory_space<vmem>>) dst(%dma_wait3A_44 : memref<64xi32, #tpu.memory_space<hbm>>)
      tpu.yield
    }) : () -> ()
    return
  }
}

module attributes {stable_mosaic.version = 14 : i64} {
  func.func @_router_body(%arg0: i32, %arg1: memref<1024x2048xf32, #tpu.memory_space<vmem>>, %arg2: memref<2048x64xf32, #tpu.memory_space<vmem>>, %arg3: memref<1024x64xf32, #tpu.memory_space<vmem>>, %arg4: memref<1024x64xf32, #tpu.memory_space<vmem>>) attributes {dimension_semantics = [#tpu.dimension_semantics<arbitrary>], iteration_bounds = array<i64: 16>, scalar_prefetch = 0 : i64, scratch_operands = 0 : i64, tpu.core_type = #tpu.core_type<tc>, window_params = [{transform_indices = @transform_0, window_bounds = array<i64: 1024, 2048>}, {pipeline_mode = #tpu.pipeline_mode<synchronous>, transform_indices = @transform_1, window_bounds = array<i64: 2048, 64>}, {transform_indices = @transform_2, window_bounds = array<i64: 1024, 64>}, {transform_indices = @transform_3, window_bounds = array<i64: 1024, 64>}]} {
    %get3A = arith.constant 0 : index
    %get3A_0 = arith.constant 0 : index
    %get3A_1 = vector.load %arg1[%get3A, %get3A_0] : memref<1024x2048xf32, #tpu.memory_space<vmem>>, vector<1024x2048xf32>
    %get3A_2 = arith.constant 0 : index
    %get3A_3 = arith.constant 0 : index
    %get3A_4 = vector.load %arg2[%get3A_2, %get3A_3] : memref<2048x64xf32, #tpu.memory_space<vmem>>, vector<2048x64xf32>
    %dot_general3A = arith.constant dense<0.000000e+00> : vector<1024x64xf32>
    %dot_general3A_5 = tpu.matmul %get3A_1, %get3A_4, %dot_general3A {dimension_numbers = #tpu.dot_dimension_numbers<[1], [0], [0], [1], [0, 0, 1, 1], [], []>, transpose_lhs_hint = false} : vector<1024x2048xf32>, vector<2048x64xf32>, vector<1024x64xf32> -> vector<1024x64xf32>
    %swap3A = arith.constant 0 : index
    %swap3A_6 = arith.constant 0 : index
    %swap3A_7 = vector.load %arg3[%swap3A, %swap3A_6] : memref<1024x64xf32, #tpu.memory_space<vmem>>, vector<1024x64xf32>
    tpu.vector_store %arg3[%swap3A, %swap3A_6], %dot_general3A_5 {strides = array<i32>} : memref<1024x64xf32, #tpu.memory_space<vmem>>, vector<1024x64xf32>,
    %reduce_max3A = arith.constant dense<0xFF800000> : vector<1024xf32>
    %reduce_max3A_8 = vector.multi_reduction <maximumf>, %dot_general3A_5, %reduce_max3A [1] : vector<1024x64xf32> to vector<1024xf32>
    %broadcast_in_dim3A = vector.shape_cast %reduce_max3A_8 : vector<1024xf32> to vector<1024x1xf32>
    %sub3A = vector.broadcast %broadcast_in_dim3A : vector<1024x1xf32> to vector<1024x64xf32>
    %sub3A_9 = arith.subf %dot_general3A_5, %sub3A : vector<1024x64xf32>
    %exp3A = math.exp %sub3A_9 : vector<1024x64xf32>
    %reduce_sum3A = arith.constant dense<0.000000e+00> : vector<1024xf32>
    %reduce_sum3A_10 = vector.multi_reduction <add>, %exp3A, %reduce_sum3A [1] : vector<1024x64xf32> to vector<1024xf32>
    %broadcast_in_dim3A_11 = vector.shape_cast %reduce_sum3A_10 : vector<1024xf32> to vector<1024x1xf32>
    %div3A = vector.broadcast %broadcast_in_dim3A_11 : vector<1024x1xf32> to vector<1024x64xf32>
    %div3A_12 = arith.divf %exp3A, %div3A : vector<1024x64xf32>
    %swap3A_13 = arith.constant 0 : index
    %swap3A_14 = arith.constant 0 : index
    %swap3A_15 = vector.load %arg4[%swap3A_13, %swap3A_14] : memref<1024x64xf32, #tpu.memory_space<vmem>>, vector<1024x64xf32>
    tpu.vector_store %arg4[%swap3A_13, %swap3A_14], %div3A_12 {strides = array<i32>} : memref<1024x64xf32, #tpu.memory_space<vmem>>, vector<1024x64xf32>,
    return
  }
  func.func @transform_0(%arg0: i32) -> (i32, i32) {
    %c0_i32 = arith.constant 0 : i32
    %c0_i32_0 = arith.constant 0 : i32
    return %arg0, %c0_i32 : i32, i32
  }
  func.func @transform_1(%arg0: i32) -> (i32, i32) {
    %c0_i32 = arith.constant 0 : i32
    %c0_i32_0 = arith.constant 0 : i32
    %c0_i32_1 = arith.constant 0 : i32
    return %c0_i32, %c0_i32_0 : i32, i32
  }
  func.func @transform_2(%arg0: i32) -> (i32, i32) {
    %c0_i32 = arith.constant 0 : i32
    %c0_i32_0 = arith.constant 0 : i32
    return %arg0, %c0_i32 : i32, i32
  }
  func.func @transform_3(%arg0: i32) -> (i32, i32) {
    %c0_i32 = arith.constant 0 : i32
    %c0_i32_0 = arith.constant 0 : i32
    return %arg0, %c0_i32 : i32, i32
  }
}

</mosaic_0001>

<sc_bundles>
// kernel: kernel.4.cloned.1.call-start
scs
__scs_entry_jumppad:
0x0: {  	(pc) =	sbr.rel $0x88, $3  }
0x1: {  	(tag) =	ssettag $0x0;
	lr =	simm.s32 $0x1  }
0x2: {  	[smem:$0x3F9F] =	sst lr;
	_ =	strace $0xD0000000  }
0x3: {  	_ = 	snop  }
0x4: {  	_ = 	snop  }
0x5: {  	_ = 	snop  }
0x6: {  	_ = 	snop  }
0x7: {  	_ = 	snop  }
__scs_overlays_trampoline_lowered:
0x8: {  	[smem:$0x3FAE] =	sst s0  }
0x9: {  	[smem:$0x3FAF] =	sst s1  }
0xa: {  	[smem:$0x3FB0] =	sst s2  }
0xb: {  	[smem:$0x3FB1] =	sst s3  }
0xc: {  	[smem:$0x3FB2] =	sst s4  }
0xd: {  	[smem:$0x3FB3] =	sst s5  }
0xe: {  	[smem:$0x3FB4] =	sst s6  }
0xf: {  	[smem:$0x3FB5] =	sst s7  }
0x10: {  	[smem:$0x3FB6] =	sst s8  }
0x11: {  	[smem:$0x3FB7] =	sst s9;
	s0 =	simm.s32 @!p0 $0x0  }
0x12: {  	s1 =	sld [smem:$0x3F9D];
	s0 =	simm.s32 @p0 $0x1  }
0x13: {  	[smem:$0x3FB8] =	sst s0;
	s0 =	simm.s32 @!p1 $0x0  }
0x14: {  	s2 =	sld [smem:$0x3F9C];
	s0 =	simm.s32 @p1 $0x1  }
0x15: {  	[smem:$0x3FB9] =	sst s0;
	s0 =	simm.s32 @!p2 $0x0  }
0x16: {  	s3 =	sld [smem:$0x3FDB];
	s0 =	simm.s32 @p2 $0x1  }
0x17: {  	s4 =	simm.s32 $0x1BF5;
	[smem:$0x3FBB] =	sst s0  }
0x18: {  	s0 =	sld [smem:$0x3F9E];
	_ =	swait.ge [sflag:s4], $0x0  }
0x19: {  	s7 =	sld [smem:$0x3F9F]  }
0x1a: {  	s8 =	sadd.s32 $0xFFFFE003, lr  }
0x1b: {  	s9 =	sadd.s32 $0xFFFFFEF7, lr;
	s5 =	simm.s32 $0xFFFFFFFF;
	p2 =	slt.u32 s8, $0xFFFFF086  }
0x1c: {  	p1 =	slt.u32 s9, $0xF7A;
	s5 =	simm.s32 @!p2 $0x0  }
0x1d: {  	s5 =	simm.s32 @p1 $0x1;
	p0 =	seq.s32 s7, s2  }
0x1e: {  	s7 =	smul.u32 @!p0 $0xF7A, s2;
	p2 =	seq.s32 @!p0 s5, $0x0  }
0x1f: {  	s9 =	smul.u32 $0xF7A, s1;
	s8 =	simm.s32 @!p0 $0x1BF5;
	p2 =	por !p2, p0  }
0x20: {  	[sflag:s8] =	ssyncset.s32 @!p0 $0xFFFFF086;
	s6 =	sadd.s32 @!p0 s3, s7;
	s7 =	simm.s32 @!p0 $0x108  }
0x21: {  	s3 =	sadd.s32 s3, s9;
	s6 =	sadd.s32 @!p0 $0x88, s6;
	s7 =	simm.s32 @p2 $0x1082  }
0x22: {  	[simem:s7], [sflag:s8] =	dma.local @!p0 [hbm:s6], $0xF7A  }
0x23: {  	s9 =	sor.u32 $0xD0000000, s2;
	s6 =	simm.s32 $0x108;
	_ =	swait.ge @!p0 [sflag:s8], $0x0  }
0x24: {  	s3 =	sadd.s32 $0x88, s3;
	s6 =	simm.s32 @!p1 $0x1082;
	[sflag:s4] =	ssyncset.s32 $0xFFFFF086  }
0x25: {  	[simem:s6], [sflag:s4] =	dma.local [hbm:s3], $0xF7A  }
0x26: {  	[smem:$0x3F9F] =	sst s1;
	(tag) =	ssettag s2;
	_ =	strace s9  }
0x27: {  	s1 =	sld [smem:$0x3FAF]  }
0x28: {  	s2 =	sld [smem:$0x3FB0]  }
0x29: {  	s4 =	sld [smem:$0x3FB2]  }
0x2a: {  	p0 =	seq.s32 s5, $0x0;
	s5 =	sld [smem:$0x3FB3]  }
0x2b: {  	s6 =	sld [smem:$0x3FB4]  }
0x2c: {  	s7 =	sld [smem:$0x3FB5]  }
0x2d: {  	s3 =	simm.s32 $0x108;
	s8 =	sld [smem:$0x3FB6]  }
0x2e: {  	s3 =	simm.s32 @!p0 $0x1082;
	s9 =	sld [smem:$0x3FB7]  }
0x2f: {  	lr =	sadd.s32 s0, s3;
	s0 =	sld [smem:$0x3FAE]  }
0x30: {  	s3 =	sld [smem:$0x3FB1]  }
0x31: {  	[smem:$0x3FBA] =	sst s10  }
0x32: {  	s10 =	sld [smem:$0x3FB8];
	_ =	sdelay $0x3  }
0x33: {  	p0 =	seq.s32 s10, $0x1;
	s10 =	sld [smem:$0x3FBA];
	_ =	sdelay $0x3  }
0x34: {  	[smem:$0x3FBA] =	sst s10  }
0x35: {  	s10 =	sld [smem:$0x3FB9];
	_ =	sdelay $0x3  }
0x36: {  	p1 =	seq.s32 s10, $0x1;
	s10 =	sld [smem:$0x3FBA];
	_ =	sdelay $0x3  }
0x37: {  	[smem:$0x3FBA] =	sst s10  }
0x38: {  	s10 =	sld [smem:$0x3FBB]  }
0x39: {  	_ = 	snop;
	(pc) =	sbr.ind lr, $3  }
0x3a: {  	_ = 	snop  }
0x3b: {  	_ = 	snop  }
0x3c: {  	p2 =	seq.s32 s10, $0x1;
	s10 =	sld [smem:$0x3FBA]  }
0x3d: {  	_ =	shalt  }
0x3e: {  	_ =	shalt  }
0x3f: {  	_ =	shalt  }
0x40: {  	_ =	shalt  }
0x41: {  	_ =	shalt  }
0x42: {  	_ =	shalt  }
0x43: {  	_ =	shalt  }
0x44: {  	_ =	shalt  }
0x45: {  	_ =	shalt  }
0x46: {  	_ =	shalt  }
0x47: {  	_ =	shalt  }
0x48: {  	_ =	shalt  }
0x49: {  	_ =	shalt  }
0x4a: {  	_ =	shalt  }
0x4b: {  	_ =	shalt  }
0x4c: {  	_ =	shalt  }
0x4d: {  	_ =	shalt  }
0x4e: {  	_ =	shalt  }
0x4f: {  	_ =	shalt  }
0x50: {  	_ =	shalt  }
0x51: {  	_ =	shalt  }
0x52: {  	_ =	shalt  }
0x53: {  	_ =	shalt  }
0x54: {  	_ =	shalt  }
0x55: {  	_ =	shalt  }
0x56: {  	_ =	shalt  }
0x57: {  	_ =	shalt  }
0x58: {  	_ =	shalt  }
0x59: {  	_ =	shalt  }
0x5a: {  	_ =	shalt  }
0x5b: {  	_ =	shalt  }
0x5c: {  	_ =	shalt  }
0x5d: {  	_ =	shalt  }
0x5e: {  	_ =	shalt  }
0x5f: {  	_ =	shalt  }
0x60: {  	_ =	shalt  }
0x61: {  	_ =	shalt  }
0x62: {  	_ =	shalt  }
0x63: {  	_ =	shalt  }
0x64: {  	_ =	shalt  }
0x65: {  	_ =	shalt  }
0x66: {  	_ =	shalt  }
0x67: {  	_ =	shalt  }
0x68: {  	_ =	shalt  }
0x69: {  	_ =	shalt  }
0x6a: {  	_ =	shalt  }
0x6b: {  	_ =	shalt  }
0x6c: {  	_ =	shalt  }
0x6d: {  	_ =	shalt  }
0x6e: {  	_ =	shalt  }
0x6f: {  	_ =	shalt  }
0x70: {  	_ =	shalt  }
0x71: {  	_ =	shalt  }
0x72: {  	_ =	shalt  }
0x73: {  	_ =	shalt  }
0x74: {  	_ =	shalt  }
0x75: {  	_ =	shalt  }
0x76: {  	_ =	shalt  }
0x77: {  	_ =	shalt  }
0x78: {  	_ =	shalt  }
0x79: {  	_ =	shalt  }
0x7a: {  	_ =	shalt  }
0x7b: {  	_ =	shalt  }
0x7c: {  	_ =	shalt  }
0x7d: {  	_ =	shalt  }
0x7e: {  	_ =	shalt  }
0x7f: {  	_ =	shalt  }
0x80: {  	_ =	shalt  }
0x81: {  	_ =	shalt  }
0x82: {  	_ =	shalt  }
0x83: {  	_ =	shalt  }
0x84: {  	_ =	shalt  }
0x85: {  	_ =	shalt  }
0x86: {  	_ =	shalt  }
0x87: {  	_ =	shalt  }
.Lfunc_end0:
.L_simem_size_0:
called_computation_lowered:
.L_overlay_start_0:
0x88: {  	s2 =	sld [smem:$0x3FD9]  }
0x89: {  	s3 =	sld [smem:$0x3FFE];
	_ =	sdelay $0x1  }
0x8a: {  	s1 =	srdreg.scid  }
0x8b: {  	s0 =	sand.u32 $0x1, s1  }
0x8c: {  	s14 =	sshll.u32 s0, $0xA;
	s2 =	sadd.s32 s3, s2  }
0x8d: {  	s2 =	sadd.s32 s2, s14  }
0x8e: {  	[smem:$0x3FC6] =	sst s2  }
0x8f: {  	_ = 	snop  }
0x90: {  	s2 =	sld [smem:$0x3FD0];
	_ =	sdelay $0x2  }
0x91: {  	s15 =	simm.s32 $0xA;
	s4 =	simm.s32 $0x10  }
0x92: {  	[smem:s4], [sflag:s15] =	dma.local [hbm:s2], $0x1  }
0x93: {  	_ =	swait.eq [sflag:s15], $0x1  }
0x94: {  	[sflag:s15] =	ssyncset.done $0x0  }
0x95: {  	[sflag:s15] =	ssyncadd.s32 $0xFFFFFFFF  }
0x96: {  	s16 =	sld [smem:$0x13];
	(tm) =	ssettm $0x1  }
0x97: {  	s17 =	sld [smem:$0x3FFB];
	_ =	sdelay $0x3  }
0x98: {  	_ =	strace s17  }
0x99: {  	s3 =	sld [smem:$0x3FFC];
	_ =	sdelay $0x3  }
0x9a: {  	_ =	strace s3  }
0x9b: {  	s3 =	sld [smem:$0x3FFD];
	_ =	sdelay $0x3  }
0x9c: {  	_ =	strace s3  }
0x9d: {  	_ =	strace $0x8FFFFFFF  }
0x9e: {  	s18 =	sld [smem:$0x3FDB];
	_ =	sdelay $0x1  }
0x9f: {  	s19 =	simm.s32 $_scs_section_size  }
0xa0: {  	s5 =	simm.s32 $_size__tile_overlayer_lowered;
	s6 =	simm.s32 $_tile_overlayer_lowered  }
0xa1: {  	s22 =	simm.s32 $0x1BFF;
	s21 =	sshll.u32 s6, $0x1;
	s3 =	sadd.s32 s19, s18  }
0xa2: {  	s7 =	simm.s32 $0x0;
	s20 =	sshll.u32 s5, $0x1;
	s5 =	sadd.s32 s21, s3  }
0xa3: {  	[timem:s7], [sflag:s22] =	dma.local [hbm:s5], s20  }
0xa4: {  	_ =	swait.ge [sflag:s22], s20  }
0xa5: {  	s4 =	ssub.s32 $0x0, s20;
	[sflag:s22] =	ssyncset.done $0x0  }
0xa6: {  	[sflag:s22] =	ssyncadd.s32 s4;
	_ =	sdelay $0x1  }
0xa7: {  	s23 =	simm.s32 $0x1B8B  }
0xa8: {  	_ =	swait.ge [sflag:s23], $0x1  }
0xa9: {  	[sflag:s23] =	ssyncset.done $0x0  }
0xaa: {  	s25 =	simm.s32 $0x1B8E;
	s24 =	sld [smem:$0x3FFE];
	[sflag:s23] =	ssyncadd.s32 $0xFFFFFFFF  }
0xab: {  	s26 =	simm.s32 $execute0_lowered;
	[smem:$0x3FD2] =	sst s25  }
0xac: {  	s5 =	sshll.u32 s26, $0x1;
	_ =	strace $0x80000046;
	[dreg:$0x1] =	wrdreg $0xFFFFFFFF  }
0xad: {  	s28 =	simm.s32 $_size_execute0_lowered;
	s3 =	sadd.s32 s3, s5;
	[dreg:$0x0] =	wrdreg $0x0  }
0xae: {  	s5 =	sshll.u32 s28, $0x1;
	[dreg:$0x2] =	wrdreg s3  }
0xaf: {  	[dreg:$0x3] =	wrdreg s5  }
0xb0: {  	[dreg:$0x4] =	wrdreg $0xC0  }
0xb1: {  	_ =	task [dreg:s7], $0x5FFFF  }
0xb2: {  	[dreg:$0x1] =	wrdreg $0xFFFFFFFF  }
0xb3: {  	[dreg:$0x0] =	wrdreg $0x60  }
0xb4: {  	[dreg:$0x2] =	wrdreg s24  }
0xb5: {  	[dreg:$0x3] =	wrdreg s16  }
0xb6: {  	[dreg:$0x4] =	wrdreg $0x9  }
0xb7: {  	_ =	task.clear_ibuf [dreg:s7], $0x5FFFF;
	_ =	strace $0x90000046  }
0xb8: {  	s29 =	simm.s32 $0x9;
	_ =	strace $0x80000048  }
0xb9: {  	_ =	swait.ge [sflag:s29], $0x1  }
0xba: {  	[sflag:s29] =	ssyncadd.s32 $0xFFFFFFFF  }
0xbb: {  	_ =	strace $0x90000048  }
0xbc: {  	_ =	sfence  }
0xbd: {  	s30 =	sld [smem:$0x0];
	_ =	sdelay $0x2  }
0xbe: {  	s31 =	sshll.u32 s1, $0xD;
	s1 =	sshrl.u32 s1, $0x2  }
0xbf: {  	s3 =	sand.u32 $0x4000, s31;
	s1 =	sadd.s32 s1, s30  }
0xc0: {  	s0 =	sor.u32 s3, s0;
	s1 =	sshll.u32 s1, $0x11  }
0xc1: {  	s0 =	sor.u32 s1, s0  }
0xc2: {  	s0 =	sadd.s32 $0x8F2B, s0  }
0xc3: {  	[sflag:s0] =	ssyncadd.remote.s32 $0x1  }
0xc4: {  	_ =	sfence.sel $0xFFFF  }
0xc5: {  	[dreg:$0x0] =	wrdreg $0xFFFFFFFF;
	(pc) =	sbr.abs _section_cstart, $3  }
0xc6: {  	[dreg:$0x1] =	wrdreg $0xFFFFFFFF  }
0xc7: {  	_ =	task.clear_ibuf [dreg:s7], $0x2FFFF;
	_ =	strace $0x9FFFFFFF  }
0xc8: {  	(tm) =	ssettm $0x7FFFFFFF  }
0xc9: {  	_ =	shalt  }
tec
execute0_lowered:
.L_overlay_start_1:
0x0: {  	(tag) =	ssettag $0x1  }
0x1: {  	s3 =	rddreg [dreg:$0x0]  }
0x2: {  	s4 =	rddreg [dreg:$0x1]  }
0x3: {  	s0 =	rddreg [dreg:$0x2]  }
0x4: {  	s5 =	srdreg.scid;
	s1 =	stileid.u32;
	s2 =	simm.s32 $0x0  }
0x5: {  	v0 =	vimm.s32 $0xFFEDCBA9;
	v1 =	vimm.s32 $0x87654321;
	s11 =	simm.s32 $0x12000;
	s5 =	sand.u32 $0x1, s5;
	s6 =	sshll.u32 s1, $0x1  }
0x6: {  	v3 =	vimm.s32 $0xEDCBA987;
	s12 =	simm.s32 $0x0;
	[smem:$0x7FF] =	sst s2;
	v2 =	vunpack.c.l.s4.s8 v0;
	v1 =	vunpack.c.l.s4.s8 v1;
	s6 =	sor.u32 s5, s6  }
0x7: {  	v4 =	vimm.s32 $0x65432100;
	vm0 =	vmmov $0xff;
	v3 =	vunpack.c.l.s4.s8 v3;
	_ =	strace $0x80000047;
	s5 =	ssub.s32 $0x2, s5;
	s7 =	sshll.u32 s6, $0xD  }
0x8: {  	v4 =	vunpack.c.l.s4.s8 v4;
	s8 =	sshll.u32 s6, $0x9;
	s6 =	sshll.u32 s6, $0x4;
	s10 =	sshrl.u32 s5, $0x1;
	v5 =	vunpack.c.0.s8.s32 v2;
	v6 =	vunpack.c.0.s8.s32 v1  }
0x9: {  	v0 =	vlaneseq.u32;
	v1 =	vimm.s32 $0x0;
	v7 =	vunpack.c.0.s8.s32 v3;
	s7 =	sadd.s32 s7, s3;
	s9 =	sadd.s32 s8, s3;
	s6 =	sadd.s32 s6, s3  }
0xa: {  	v2 =	vor.u32 $0x10, v0;
	s10 =	ssub.s32 s5, s10;
	s4 =	sadd.s32 s4, s8;
	s8 =	simm.s32 $0x1;
	v5 =	vcombine.low v6, v5;
	v6 =	vunpack.c.0.s8.s32 v4  }
0xb: {  	v3 =	vor.u32 $0x20, v0;
	s3 =	sadd.s32 $0xE00, s7;
	s5 =	sadd.s32 $0x40E00, s9;
	s6 =	sadd.s32 $0x44E00, s6;
	v4 =	vor.u32 $0x30, v0;
	v7 =	vand.u32 $0xF, v7  }
0xc: {  	s7 =	smax.u32 s10, $0x1;
	s9 =	simm.s32 $0x10000;
	s10 =	simm.s32 $0x11000;
	v5 =	vand.u32 $0xF, v5;
	v6 =	vcombine.low v6, v7;
	v7 =	vimm.s32 $0x1  }
.LBB2_1:
0xd: {  	[tilespmem:s2], [sflag:$0x1] =	stream.linear.gather [hbm4b:s3+s2], $0x10000, $0x38;
	[tilespmem:$0x12080] =	vst v63  }
0xe: {  	_ =	swait.ge [sflag:s8], $0x10000  }
0xf: {  	[sflag:s8] =	ssyncset.done $0x0  }
0x10: {  	[sflag:s8] =	ssyncadd.s32 $0xFFFF0000  }
0x11: {  	[tilespmem:$0x12000] =	vst v1  }
0x12: {  	[tilespmem:$0x12010] =	vst v1  }
0x13: {  	[tilespmem:$0x12020] =	vst v1  }
0x14: {  	s13 =	simm.s32 $0x200;
	[tilespmem:$0x12030] =	vst v1  }
0x15: {  	v8 =	vld [tilespmem:s13+$0x130]  }
0x16: {  	v9 =	vld [tilespmem:s13+$0xB0]  }
0x17: {  	v10 =	vld [tilespmem:s13+$0x110]  }
0x18: {  	v11 =	vld [tilespmem:s13+$0x120]  }
0x19: {  	v12 =	vld [tilespmem:s13+$0xA0]  }
0x1a: {  	v13 =	vld [tilespmem:s13+$0x90];
	(xrf1) =	vsort.ascd.msk.f32 $0xffff, v8, v4  }
0x1b: {  	v8 =	vld [tilespmem:s13+$0x80];
	(xrf1) =	vsort.ascd.msk.f32 $0xffff, v9, v4  }
0x1c: {  	(xrf1) =	vsort.ascd.msk.f32 $0xffff, v10, v2  }
0x1d: {  	v9 =	vld [tilespmem:s13+$0x30];
	(xrf1) =	vsort.dscd.msk.f32 $0xffff, v11, v3  }
0x1e: {  	v10 =	vld [tilespmem:s13+$0x20];
	(xrf1) =	vsort.dscd.msk.f32 $0xffff, v12, v3  }
0x1f: {  	v11 =	vld [tilespmem:s13+$0x10];
	(xrf1) =	vsort.ascd.msk.f32 $0xffff, v13, v2  }
0x20: {  	v12 =	vld [tilespmem:s13+$0x0];
	(xrf1) =	vsort.dscd.msk.f32 $0xffff, v8, v0  }
0x21: {  	v8 =	vld [tilespmem:s13+$0xFFFFFFB0]  }
0x22: {  	v13 =	vld [tilespmem:s13+$0xFFFFFFA0];
	(xrf1) =	vsort.ascd.msk.f32 $0xffff, v9, v4  }
0x23: {  	v9 =	vld [tilespmem:s13+$0xFFFFFF90];
	(xrf1) =	vsort.dscd.msk.f32 $0xffff, v10, v3  }
0x24: {  	v10 =	vld [tilespmem:s13+$0xFFFFFF80];
	(xrf1) =	vsort.ascd.msk.f32 $0xffff, v11, v2  }
0x25: {  	v11 =	vld [tilespmem:s13+$0xFFFFFF30];
	(xrf1) =	vsort.dscd.msk.f32 $0xffff, v12, v0  }
0x26: {  	v12 =	vld [tilespmem:s13+$0x100];
	(xrf1) =	vsort.ascd.msk.f32 $0xffff, v8, v4  }
0x27: {  	v8 =	vld [tilespmem:s13+$0xFFFFFF20];
	(xrf1) =	vsort.dscd.msk.f32 $0xffff, v13, v3  }
0x28: {  	v13 =	vld [tilespmem:s13+$0xFFFFFF10];
	(xrf1) =	vsort.ascd.msk.f32 $0xffff, v9, v2;
	v9, v14, _ =	vpop (xrf1)  }
0x29: {  	v15 =	vld [tilespmem:s13+$0xFFFFFF00];
	(xrf1) =	vsort.dscd.msk.f32 $0xffff, v10, v0;
	v10, v16, _ =	vpop (xrf1)  }
0x2a: {  	(xrf1) =	vsort.ascd.msk.f32 $0xffff, v11, v4;
	v11, v17, _ =	vpop (xrf1)  }
0x2b: {  	(xrf1) =	vsort.dscd.msk.f32 $0xffff, v12, v0;
	v12, v18, _ =	vpop (xrf1)  }
0x2c: {  	(xrf1) =	vsort.dscd.msk.f32 $0xffff, v8, v3;
	v8, v20, _ =	vpop (xrf1)  }
0x2d: {  	v19 =	vld [tilespmem:s13+$0xFFFFFEB0];
	(xrf1) =	vsort.ascd.msk.f32 $0xffff, v13, v2;
	v13, v21, _ =	vpop (xrf1)  }
0x2e: {  	v9 =	vsel vm0, v12, v9;
	v12 =	vsel vm0, v18, v14;
	(xrf1) =	vsort.dscd.msk.f32 $0xffff, v15, v0;
	v14, v15, _ =	vpop (xrf1)  }
0x2f: {  	v22 =	vld [tilespmem:s13+$0xFFFFFEA0];
	v13 =	vsel vm0, v14, v13;
	v14 =	vsel vm0, v15, v21  }
0x30: {  	v18 =	vld [tilespmem:s13+$0xFFFFFE30];
	(xrf1) =	vsort.ascd.msk.f32 $0xffff, v9, v12  }
0x31: {  	v8 =	vsel vm0, v8, v10;
	v10 =	vsel vm0, v20, v16;
	v9 =	vld [tilespmem:s13+$0xFFFFFE10];
	v12, v15, _ =	vpop (xrf1);
	(xrf1) =	vsort.dscd.msk.f32 $0xffff, v13, v14  }
0x32: {  	v13 =	vld [tilespmem:s13+$0xFFFFFE90];
	(xrf1) =	vsort.ascd.msk.f32 $0xffff, v19, v4;
	v14, v16, _ =	vpop (xrf1)  }
0x33: {  	v19, v20, _ =	vpop (xrf1);
	(xrf1) =	vsort.ascd.msk.f32 $0xffff, v8, v10  }
0x34: {  	v8 =	vld [tilespmem:s13+$0xFFFFFE80];
	v10, v21, _ =	vpop (xrf1);
	(xrf1) =	vsort.dscd.msk.f32 $0xffff, v22, v3  }
0x35: {  	v22, v23, _ =	vpop (xrf1);
	(xrf1) =	vsort.ascd.msk.f32 $0xffff, v18, v4  }
0x36: {  	v18, v24, _ =	vpop (xrf1);
	(xrf1) =	vsort.ascd.msk.f32 $0xffff, v9, v2  }
0x37: {  	v9 =	vsel vm0, v14, v12;
	v12 =	vsel vm0, v16, v15;
	v14, v15, _ =	vpop (xrf1);
	(xrf1) =	vsort.ascd.msk.f32 $0xffff, v13, v2  }
0x38: {  	v16, v25, _ =	vpop (xrf1);
	(xrf1) =	vsort.ascd.msk.f32 $0xffff, v9, v12;
	v9 =	vsel vm0, v18, v22;
	v12 =	vsel vm0, v24, v23  }
0x39: {  	v18, v22, _ =	vpop (xrf1);
	(xrf1) =	vsort.dscd.msk.f32 $0xffff, v8, v0;
	v8 =	vsel vm0, v10, v19;
	v10 =	vsel vm0, v21, v20  }
0x3a: {  	v13 =	vld [tilespmem:s13+$0xFFFFFE00]  }
0x3b: {  	v19, v20, _ =	vpop (xrf1)  }
0x3c: {  	(xrf1) =	vsort.ascd.msk.f32 $0xffff, v9, v12;
	v9 =	vsel vm0, v19, v11;
	v11 =	vsel vm0, v20, v17;
	v12, v17, _ =	vpop (xrf1)  }
0x3d: {  	v19 =	vld [tilespmem:s13+$0x180];
	(xrf1) =	vsort.dscd.msk.f32 $0xffff, v8, v10;
	v8, v10, _ =	vpop (xrf1)  }
0x3e: {  	(xrf1) =	vsort.dscd.msk.f32 $0xffff, v9, v11;
	v11 =	vsel vm0, v16, v14;
	v14 =	vsel vm0, v25, v15;
	v15, v16, _ =	vpop (xrf1)  }
0x3f: {  	(xrf1) =	vsort.dscd.msk.f32 $0xffff, v13, v0;
	v13 =	vsel vm0, v17, v22;
	v10 =	vsel vm0, v16, v10  }
0x40: {  	v12 =	vsel vm0, v12, v18;
	v17, v18, _ =	vpop (xrf1);
	(xrf1) =	vsort.dscd.msk.f32 $0xffff, v11, v14;
	v8 =	vsel vm0, v15, v8  }
0x41: {  	v9 =	vld [tilespmem:s13+$0xFFFFFE20];
	v14, v20, _ =	vpop (xrf1);
	(xrf1) =	vsort.ascd.msk.f32 $0xffff, v12, v13  }
0x42: {  	v13, v15, _ =	vpop (xrf1);
	(xrf1) =	vsort.dscd.msk.f32 $0xffff, v19, v0  }
0x43: {  	(xrf1) =	vsort.dscd.msk.f32 $0xffff, v8, v10;
	v8, v10, _ =	vpop (xrf1)  }
0x44: {  	v11 =	vld [tilespmem:s13+$0x1B0];
	v10 =	vsel vm0, v20, v10  }
0x45: {  	v12 =	vld [tilespmem:s13+$0x190];
	v8 =	vsel vm0, v14, v8  }
0x46: {  	v16 =	vld [tilespmem:s13+$0x1A0];
	(xrf1) =	vsort.dscd.msk.f32 $0xffff, v9, v3;
	v9, v14, _ =	vpop (xrf1)  }
0x47: {  	v19, v20, _ =	vpop (xrf1)  }
0x48: {  	(xrf1) =	vsort.dscd.msk.f32 $0xffff, v8, v10;
	v8, v10, _ =	vpop (xrf1)  }
0x49: {  	v9 =	vsel vm0, v9, v13;
	v13 =	vsel vm0, v14, v15;
	(xrf1) =	vsort.ascd.msk.f32 $0xffff, v11, v4;
	v11, v21, _ =	vpop (xrf1)  }
0x4a: {  	(xrf1) =	vsort.ascd.msk.f32 $0xffff, v12, v2;
	v12, v22, _ =	vpop (xrf1)  }
0x4b: {  	(xrf1) =	vsort.dscd.msk.f32 $0xffff, v16, v3;
	v16, v23, _ =	vpop (xrf1)  }
0x4c: {  	v14, v15, _ =	vpop (xrf1)  }
0x4d: {  	(xrf1) =	vsort.ascd.msk.f32 $0xffff, v9, v13;
	v11 =	vsel vm0, v16, v11;
	v16 =	vsel vm0, v23, v21;
	v9, v13, _ =	vpop (xrf1)  }
0x4e: {  	(xrf1) =	vsort.dscd.msk.f32 $0xffff, v11, v16;
	v11 =	vsel vm0, v13, v22  }
0x4f: {  	v9 =	vsel vm0, v9, v12;
	v12, v13, _ =	vpop (xrf1)  }
0x50: {  	v13 =	vsel vm0, v13, v18  }
0x51: {  	v12 =	vsel vm0, v12, v17;
	v16, v17, _ =	vpop (xrf1)  }
0x52: {  	(xrf1) =	vsort.dscd.msk.f32 $0xffff, v9, v11;
	v10 =	vsel vm0, v17, v10;
	v9, v11, _ =	vpop (xrf1)  }
0x53: {  	v8 =	vsel vm0, v16, v8;
	v11 =	vsel vm0, v11, v15  }
0x54: {  	(xrf1) =	vsort.dscd.msk.f32 $0xffff, v12, v13;
	v12, v13, _ =	vpop (xrf1)  }
0x55: {  	v16, v17, _ =	vpop (xrf1)  }
0x56: {  	(xrf1) =	vsort.dscd.msk.f32 $0xffff, v8, v10;
	v9 =	vsel vm0, v9, v14;
	v8, v10, _ =	vpop (xrf1)  }
0x57: {  	(xrf1) =	vsort.dscd.msk.f32 $0xffff, v9, v11;
	v9 =	vsel vm0, v10, v13;
	v10, v11, _ =	vpop (xrf1)  }
0x58: {  	v10 =	vsel vm0, v10, v19  }
0x59: {  	v8 =	vsel vm0, v8, v12;
	_ =	sdelay $0x1  }
0x5a: {  	(xrf1) =	vsort.dscd.msk.f32 $0xffff, v8, v9;
	v11 =	vsel vm0, v11, v20;
	v9, v13, _ =	vpop (xrf1)  }
0x5b: {  	s26 =	simm.s32 $0x28;
	(xrf1) =	vsort.ascd.msk.f32 $0xffff, v10, v11;
	v18 =	vperm.xlane v13, v6;
	v8, v10, _ =	vpop (xrf1)  }
0x5c: {  	v27 =	vadd.s32 s26, v0;
	v14, v15, _ =	vpop (xrf1)  }
0x5d: {  	v11 =	vperm.xlane v9, v5;
	vm1 =	vgt.s32 v18, v13;
	v19, v21, _ =	vpop (xrf1)  }
0x5e: {  	v14 =	vsel vm0, v16, v14;
	v16 =	vsel vm0, v19, v8;
	v10 =	vsel vm0, v21, v10  }
0x5f: {  	v12 =	vperm.xlane v9, v6;
	(xrf1) =	vsort.ascd.msk.f32 $0xffff, v16, v10;
	v10 =	vsel vm1, v18, v13  }
0x60: {  	v20 =	vperm.xlane v13, v5  }
0x61: {  	s14 =	simm.s32 $0x20;
	[tilespmem:v27+s9+$0x0] =	vst.idx.msk $0xff, v9;
	vm2 =	veq.f32 v9, v12;
	v15 =	vsel vm0, v17, v15;
	v16, v17, _ =	vpop (xrf1)  }
0x62: {  	v12 =	vor.u32 s14, v0;
	vm1 =	veq.f32 v9, v11;
	(xrf1) =	vsort.dscd.msk.f32 $0xffff, v14, v15;
	v9 =	vsel vm2, v10, v13;
	v10, v11, _ =	vpop (xrf1)  }
0x63: {  	vm2 =	vgt.s32 v13, v20;
	v10 =	vsel vm0, v10, v16;
	v11 =	vsel vm0, v11, v17  }
0x64: {  	vm4 =	vmand vm1, vm2;
	v14, v19, _ =	vpop (xrf1);
	(xrf1) =	vsort.dscd.msk.f32 $0xffff, v10, v11  }
0x65: {  	s28 =	simm.s32 $0x30;
	v29 =	vsel vm4, v20, v9;
	v16 =	vperm.xlane v14, v5  }
0x66: {  	s29 =	simm.s32 $0x10;
	v8 =	vor.u32 s28, v0;
	[tilespmem:v27+s10+$0x0] =	vst.idx.msk $0xff, v29;
	v21 =	vperm.xlane v19, v6;
	v17 =	vperm.xlane v14, v6  }
0x67: {  	v10 =	vor.u32 s29, v0;
	[tilespmem:v12+s9+$0x0] =	vst.idx.msk $0xff, v14;
	v18 =	vperm.xlane v19, v5;
	vm3 =	veq.f32 v14, v16;
	v13, v11, _ =	vpop (xrf1)  }
0x68: {  	vm6 =	veq.f32 v14, v17;
	vm5 =	vgt.s32 v21, v19;
	v16 =	vperm.xlane v13, v5;
	v23, v25, _ =	vpop (xrf1)  }
0x69: {  	v28 =	vsel vm5, v21, v19;
	v15 =	vperm.xlane v11, v6;
	v17 =	vperm.xlane v13, v6;
	v22, v14, _ =	vpop (xrf1)  }
0x6a: {  	vm1 =	veq.f32 v13, v16;
	v16 =	vperm.xlane v22, v6;
	v26, v20, _ =	vpop (xrf1);
	v24 =	vperm.xlane v22, v5  }
0x6b: {  	vm2 =	vgt.s32 v15, v11;
	v31 =	vperm.xlane v14, v6;
	v9 =	vperm.xlane v26, v6;
	v21, v30, _ =	vpop (xrf1)  }
0x6c: {  	[tilespmem:v10+s9+$0x0] =	vst.idx.msk $0xff, v26;
	v21 =	vsel vm0, v23, v21;
	vm7 =	veq.f32 v22, v16  }
0x6d: {  	s30 =	simm.s32 $0x18;
	v16 =	vsel vm0, v25, v30;
	v23 =	vperm.xlane v26, v5;
	v30 =	vperm.xlane v20, v6  }
0x6e: {  	vm8 =	vgt.s32 v31, v14;
	vm5 =	veq.f32 v26, v9;
	v9 =	vadd.s32 s30, v0;
	(xrf1) =	vsort.dscd.msk.f32 $0xffff, v21, v16  }
0x6f: {  	s31 =	simm.s32 $0x8;
	v25 =	vsel vm6, v28, v19;
	v21 =	vperm.xlane v20, v5;
	vm4 =	veq.f32 v26, v23;
	v32, v26, _ =	vpop (xrf1)  }
0x70: {  	s15 =	simm.s32 $0x0;
	s16 =	simm.s32 $0x600;
	[tilespmem:v8+s9+$0x0] =	vst.idx.msk $0xff, v13;
	v16 =	vsel vm8, v31, v14;
	vm9 =	vgt.s32 v30, v20;
	v23 =	vadd.s32 s31, v0;
	v27, v28, _ =	vpop (xrf1)  }
0x71: {  	s17 =	simm.s32 $0x0;
	s13 =	simm.s32 $0x38;
	s14 =	simm.s32 $0x0;
	v16 =	vsel vm7, v16, v14;
	v29 =	vsel vm9, v30, v20;
	v27 =	vsel vm0, v27, v32  }
.LBB2_2:
0x72: {  	v30 =	vld [tilespmem:s16+$0x130];
	s15 =	sadd.s32 $0x8, s15;
	v29 =	vsel vm5, v29, v20;
	vm6 =	vgt.s32 v19, v18;
	v19 =	vsel vm0, v28, v26;
	s17 =	sadd.s32 $0x40, s17;
	v26, v28, _ =	vpop (xrf1)  }
0x73: {  	v31 =	vld [tilespmem:s16+$0xA0];
	s18 =	sadd.s32 $0x38, s17;
	p0 =	slt.u32 s15, $0x1F8;
	v32 =	vperm.xlane v26, v6;
	v33 =	vperm.xlane v28, v6;
	[tilespmem:v9+s9+$0x0] =	vst.idx.msk $0xff, v22  }
0x74: {  	vm5 =	veq.f32 v22, v24;
	v35 =	vperm.xlane v28, v5;
	v34 =	vld [tilespmem:s16+$0xB0];
	(xrf1) =	vsort.dscd.msk.f32 $0xffff, v27, v19  }
0x75: {  	v22 =	vperm.xlane v26, v5;
	vm3 =	vmand vm3, vm6;
	v19 =	vld [tilespmem:s16+$0x110];
	vm7 =	vgt.s32 v33, v28;
	[tilespmem:v23+s9+$0x0] =	vst.idx.msk $0xff, v26  }
0x76: {  	vm6 =	vgt.s32 v28, v35;
	vm8 =	veq.f32 v26, v32;
	v24 =	vld [tilespmem:s16+$0x120];
	v27 =	vsel vm7, v33, v28  }
0x77: {  	v18 =	vsel vm3, v18, v25;
	vm7 =	veq.f32 v26, v22;
	v32 =	vld [tilespmem:s16+$0x100];
	v22 =	vsel vm8, v27, v28  }
0x78: {  	vm3 =	vmand vm7, vm6;
	vm6 =	vgt.s32 v20, v21;
	v25 =	vld [tilespmem:s16+$0x90];
	(xrf1) =	vsort.ascd.msk.f32 $0xffff, v30, v4;
	[tilespmem:v12+s10+$0x0] =	vst.idx.msk $0xff, v18  }
0x79: {  	v20 =	vperm.xlane v14, v5;
	v18 =	vsel vm3, v35, v22;
	vm3 =	vmand vm4, vm6;
	v12 =	vld [tilespmem:s16+$0x80];
	(xrf1) =	vsort.ascd.msk.f32 $0xffff, v34, v4  }
0x7a: {  	vm4 =	veq.f32 v13, v17;
	v13 =	vsel vm2, v15, v11;
	v22 =	vld [tilespmem:s16+$0x30];
	(xrf1) =	vsort.ascd.msk.f32 $0xffff, v19, v2  }
0x7b: {  	v17 =	vperm.xlane v11, v5;
	v13 =	vsel vm4, v13, v11;
	v15 =	vld [tilespmem:s16+$0x20];
	(xrf1) =	vsort.dscd.msk.f32 $0xffff, v24, v3  }
0x7c: {  	v19 =	vld [tilespmem:s16+$0x10];
	(xrf1) =	vsort.dscd.msk.f32 $0xffff, v31, v3;
	[tilespmem:v23+s10+$0x0] =	vst.idx.msk $0xff, v18;
	v18 =	vsel vm3, v21, v29;
	v21, v23, _ =	vpop (xrf1)  }
0x7d: {  	vm2 =	vgt.s32 v14, v20;
	vm3 =	vgt.s32 v11, v17;
	v24 =	vld [tilespmem:s16+$0x0];
	(xrf1) =	vsort.ascd.msk.f32 $0xffff, v25, v2  }
0x7e: {  	v11 =	vld [tilespmem:s16+$0xFFFFFFB0];
	(xrf1) =	vsort.dscd.msk.f32 $0xffff, v12, v0;
	v12 =	vperm.xlane v23, v6;
	[tilespmem:v10+s10+$0x0] =	vst.idx.msk $0xff, v18  }
0x7f: {  	v26 =	vperm.xlane v21, v5;
	vm1 =	vmand vm1, vm3;
	v18 =	vperm.xlane v21, v6;
	v10 =	vld [tilespmem:s16+$0xFFFFFFA0];
	(xrf1) =	vsort.ascd.msk.f32 $0xffff, v22, v4  }
0x80: {  	v25 =	vsel vm1, v17, v13;
	v22 =	vld [tilespmem:s16+$0xFFFFFF90];
	(xrf1) =	vsort.dscd.msk.f32 $0xffff, v15, v3;
	vm3 =	vgt.s32 v12, v23  }
0x81: {  	v17 =	vperm.xlane v23, v5;
	vm1 =	vmand vm5, vm2;
	v15 =	vld [tilespmem:s16+$0xFFFFFF80];
	(xrf1) =	vsort.ascd.msk.f32 $0xffff, v19, v2;
	v12 =	vsel vm3, v12, v23  }
0x82: {  	vm2 =	veq.f32 v21, v26;
	v19 =	vld [tilespmem:s16+$0xFFFFFF30];
	(xrf1) =	vsort.dscd.msk.f32 $0xffff, v24, v0;
	[tilespmem:v8+s10+$0x0] =	vst.idx.msk $0xff, v25;
	v8 =	vadd.s32 s13, v0;
	v13, v14, _ =	vpop (xrf1);
	s13 =	smov.u32 s18  }
0x83: {  	v24 =	vld [tilespmem:s16+$0xFFFFFF20];
	(xrf1) =	vsort.ascd.msk.f32 $0xffff, v11, v4;
	v11 =	vor.u32 s14, v0;
	v25 =	vperm.xlane v13, v5;
	v26 =	vperm.xlane v14, v6;
	s14 =	smov.u32 s17  }
0x84: {  	v28 =	vperm.xlane v14, v5;
	v27 =	vld [tilespmem:s16+$0xFFFFFF10];
	(xrf1) =	vsort.dscd.msk.f32 $0xffff, v10, v3;
	v10 =	vperm.xlane v13, v6  }
0x85: {  	v16 =	vsel vm1, v20, v16;
	v29 =	vld [tilespmem:s16+$0xFFFFFF00];
	(xrf1) =	vsort.ascd.msk.f32 $0xffff, v22, v2;
	vm3 =	vgt.s32 v26, v14  }
0x86: {  	vm1 =	veq.f32 v13, v25;
	v20 =	vld [tilespmem:s16+$0xFFFFFEB0];
	(xrf1) =	vsort.dscd.msk.f32 $0xffff, v15, v0;
	v15, v22, _ =	vpop (xrf1);
	v25 =	vsel vm3, v26, v14  }
0x87: {  	vm3 =	vgt.s32 v23, v17;
	v26 =	vld [tilespmem:s16+$0xFFFFFEA0];
	(xrf1) =	vsort.ascd.msk.f32 $0xffff, v19, v4;
	v19, v30, _ =	vpop (xrf1);
	[tilespmem:v8+s9+$0x0] =	vst.idx.msk $0xff, v13  }
0x88: {  	vm4 =	veq.f32 v21, v18;
	v31 =	vld [tilespmem:s16+$0xFFFFFE90];
	(xrf1) =	vsort.dscd.msk.f32 $0xffff, v32, v0;
	v32, v33, _ =	vpop (xrf1);
	[tilespmem:v11+s9+$0x0] =	vst.idx.msk $0xff, v21  }
0x89: {  	v12 =	vsel vm4, v12, v23;
	vm2 =	vmand vm2, vm3;
	v18 =	vld [tilespmem:s16+$0xFFFFFE80];
	(xrf1) =	vsort.dscd.msk.f32 $0xffff, v24, v3;
	v34, v24, _ =	vpop (xrf1);
	[tilespmem:v9+s10+$0x0] =	vst.idx.msk $0xff, v16  }
0x8a: {  	v12 =	vsel vm2, v17, v12;
	v9 =	vld [tilespmem:s16+$0xFFFFFE30];
	v15 =	vsel vm0, v34, v15;
	(xrf1) =	vsort.ascd.msk.f32 $0xffff, v27, v2;
	v16, v21, _ =	vpop (xrf1)  }
0x8b: {  	v17 =	vld [tilespmem:s16+$0xFFFFFE20];
	v16 =	vsel vm0, v16, v19;
	v19 =	vsel vm0, v21, v30;
	v21, v23, _ =	vpop (xrf1);
	[tilespmem:v11+s10+$0x0] =	vst.idx.msk $0xff, v12  }
0x8c: {  	v12 =	vsel vm0, v24, v22;
	v11 =	vld [tilespmem:s16+$0xFFFFFE10];
	(xrf1) =	vsort.dscd.msk.f32 $0xffff, v29, v0;
	v22, v24, _ =	vpop (xrf1)  }
0x8d: {  	v30 =	vsel vm0, v22, v21;
	v22 =	vsel vm0, v24, v23;
	v23, v24, _ =	vpop (xrf1)  }
0x8e: {  	v27, v29, _ =	vpop (xrf1);
	(xrf1) =	vsort.ascd.msk.f32 $0xffff, v15, v12  }
0x8f: {  	v12 =	vsel vm0, v27, v23;
	v15 =	vsel vm0, v29, v24;
	v23, v24, _ =	vpop (xrf1);
	(xrf1) =	vsort.dscd.msk.f32 $0xffff, v30, v22  }
0x90: {  	(xrf1) =	vsort.ascd.msk.f32 $0xffff, v20, v4;
	v20, v21, _ =	vpop (xrf1)  }
0x91: {  	vm2 =	veq.f32 v13, v10;
	v20 =	vsel vm0, v20, v23;
	v21 =	vsel vm0, v21, v24;
	v22, v23, _ =	vpop (xrf1)  }
0x92: {  	vm3 =	vgt.s32 v14, v28;
	v14 =	vsel vm2, v25, v14;
	v10 =	vld [tilespmem:s16+$0xFFFFFE00];
	v13, v24, _ =	vpop (xrf1);
	(xrf1) =	vsort.ascd.msk.f32 $0xffff, v16, v19  }
0x93: {  	vm1 =	vmand vm1, vm3;
	v13 =	vsel vm0, v13, v22;
	v16 =	vsel vm0, v24, v23;
	(xrf1) =	vsort.dscd.msk.f32 $0xffff, v26, v3;
	v19, v22, _ =	vpop (xrf1)  }
0x94: {  	v14 =	vsel vm1, v28, v14;
	(xrf1) =	vsort.ascd.msk.f32 $0xffff, v9, v4;
	v9, v23, _ =	vpop (xrf1)  }
0x95: {  	v9 =	vsel vm0, v9, v19;
	v19 =	vsel vm0, v23, v22;
	(xrf1) =	vsort.ascd.msk.f32 $0xffff, v11, v2;
	v11, v22, _ =	vpop (xrf1)  }
0x96: {  	(xrf1) =	vsort.ascd.msk.f32 $0xffff, v31, v2;
	v23, v24, _ =	vpop (xrf1);
	[tilespmem:v8+s10+$0x0] =	vst.idx.msk $0xff, v14  }
0x97: {  	v8 =	vsel vm0, v23, v32;
	v14 =	vsel vm0, v24, v33;
	v23, v24, _ =	vpop (xrf1);
	(xrf1) =	vsort.ascd.msk.f32 $0xffff, v12, v15  }
0x98: {  	(xrf1) =	vsort.dscd.msk.f32 $0xffff, v18, v0;
	v12, v15, _ =	vpop (xrf1)  }
0x99: {  	v18 =	vld [tilespmem:s16+$0x180];
	(xrf1) =	vsort.ascd.msk.f32 $0xffff, v13, v16  }
0x9a: {  	v13 =	vld [tilespmem:s16+$0x1B0];
	v16, v25, _ =	vpop (xrf1);
	(xrf1) =	vsort.dscd.msk.f32 $0xffff, v20, v21  }
0x9b: {  	v11 =	vsel vm0, v23, v11;
	v20 =	vsel vm0, v24, v22;
	v21 =	vld [tilespmem:s16+$0x1A0];
	(xrf1) =	vsort.dscd.msk.f32 $0xffff, v8, v14  }
0x9c: {  	v8 =	vsel vm0, v16, v12;
	v12 =	vsel vm0, v25, v15;
	v14 =	vld [tilespmem:s16+$0x190];
	(xrf1) =	vsort.dscd.msk.f32 $0xffff, v10, v0;
	v10, v15, _ =	vpop (xrf1)  }
0x9d: {  	(xrf1) =	vsort.dscd.msk.f32 $0xffff, v9, v19;
	v9, v16, _ =	vpop (xrf1)  }
0x9e: {  	v19, v22, _ =	vpop (xrf1);
	(xrf1) =	vsort.ascd.msk.f32 $0xffff, v11, v20  }
0x9f: {  	(xrf1) =	vsort.dscd.msk.f32 $0xffff, v18, v0  }
0xa0: {  	(xrf1) =	vsort.dscd.msk.f32 $0xffff, v8, v12;
	v8, v11, _ =	vpop (xrf1)  }
0xa1: {  	v20 =	vsel vm0, v9, v8;
	v23 =	vsel vm0, v16, v11;
	(xrf1) =	vsort.dscd.msk.f32 $0xffff, v17, v3;
	v11, v12, _ =	vpop (xrf1)  }
0xa2: {  	v11 =	vsel vm0, v11, v19;
	v12 =	vsel vm0, v12, v22;
	v16, v17, _ =	vpop (xrf1);
	(xrf1) =	vsort.dscd.msk.f32 $0xffff, v20, v23  }
0xa3: {  	v8, v9, _ =	vpop (xrf1);
	(xrf1) =	vsort.ascd.msk.f32 $0xffff, v13, v4  }
0xa4: {  	v13, v18, _ =	vpop (xrf1);
	(xrf1) =	vsort.ascd.msk.f32 $0xffff, v14, v2  }
0xa5: {  	v14, v19, _ =	vpop (xrf1);
	(xrf1) =	vsort.dscd.msk.f32 $0xffff, v21, v3  }
0xa6: {  	v20, v21, _ =	vpop (xrf1)  }
0xa7: {  	v22 =	vsel vm0, v20, v13;
	v20 =	vsel vm0, v21, v18;
	(xrf1) =	vsort.ascd.msk.f32 $0xffff, v11, v12;
	v11, v12, _ =	vpop (xrf1)  }
0xa8: {  	v13, v18, _ =	vpop (xrf1)  }
0xa9: {  	(xrf1) =	vsort.dscd.msk.f32 $0xffff, v22, v20;
	v13 =	vsel vm0, v13, v14  }
0xaa: {  	v20 =	vsel vm0, v18, v19;
	v18, v19, _ =	vpop (xrf1)  }
0xab: {  	v22 =	vsel vm0, v18, v10;
	v21 =	vsel vm0, v19, v15;
	v18, v19, _ =	vpop (xrf1);
	(xrf1) =	vsort.dscd.msk.f32 $0xffff, v13, v20  }
0xac: {  	v20 =	vsel vm0, v18, v8;
	v18 =	vsel vm0, v19, v9;
	v13, v14, _ =	vpop (xrf1);
	(xrf1) =	vsort.dscd.msk.f32 $0xffff, v22, v21  }
0xad: {  	s18 =	sadd.s32 $0x28, s17;
	v10, v15, _ =	vpop (xrf1)  }
0xae: {  	v27 =	vadd.s32 s18, v0;
	v21 =	vsel vm0, v13, v11;
	v19 =	vsel vm0, v14, v12;
	(xrf1) =	vsort.dscd.msk.f32 $0xffff, v20, v18;
	v8, v9, _ =	vpop (xrf1)  }
0xaf: {  	v18, v14, _ =	vpop (xrf1);
	(xrf1) =	vsort.dscd.msk.f32 $0xffff, v21, v19  }
0xb0: {  	v21 =	vsel vm0, v18, v10;
	v14 =	vsel vm0, v14, v15;
	v12, v13, _ =	vpop (xrf1)  }
0xb1: {  	v20 =	vsel vm0, v12, v16;
	v16 =	vsel vm0, v13, v17;
	(xrf1) =	vsort.dscd.msk.f32 $0xffff, v21, v14;
	v10, v11, _ =	vpop (xrf1)  }
0xb2: {  	v14 =	vperm.xlane v10, v5;
	v15 =	vperm.xlane v10, v6;
	(xrf1) =	vsort.ascd.msk.f32 $0xffff, v20, v16;
	v12, v13, _ =	vpop (xrf1)  }
0xb3: {  	v16 =	vperm.xlane v11, v6;
	[tilespmem:v27+s9+$0x0] =	vst.idx.msk $0xff, v10;
	v19, v18, _ =	vpop (xrf1)  }
0xb4: {  	s18 =	sadd.s32 $0x20, s17;
	v20 =	vperm.xlane v11, v5;
	vm1 =	veq.f32 v10, v15;
	v15 =	vsel vm0, v8, v19;
	v8, v17, _ =	vpop (xrf1)  }
0xb5: {  	s19 =	sadd.s32 $0x30, s17;
	vm2 =	vgt.s32 v16, v11;
	v12 =	vsel vm0, v8, v12;
	v19 =	vsel vm0, v17, v13  }
0xb6: {  	v9 =	vsel vm0, v9, v18;
	v16 =	vsel vm2, v16, v11;
	v8 =	vor.u32 s19, v0;
	v17, v18, _ =	vpop (xrf1);
	(xrf1) =	vsort.ascd.msk.f32 $0xffff, v12, v19  }
0xb7: {  	vm2 =	veq.f32 v10, v14;
	v12 =	vor.u32 s18, v0;
	v16 =	vsel vm1, v16, v11;
	v10, v13, _ =	vpop (xrf1);
	(xrf1) =	vsort.dscd.msk.f32 $0xffff, v15, v9  }
0xb8: {  	v14 =	vsel vm0, v10, v17;
	v10 =	vsel vm0, v13, v18  }
0xb9: {  	vm1 =	vgt.s32 v11, v20;
	(xrf1) =	vsort.dscd.msk.f32 $0xffff, v14, v10;
	v9, v19, _ =	vpop (xrf1)  }
0xba: {  	s18 =	sadd.s32 $0x10, s17;
	vm4 =	vmand vm2, vm1;
	v24 =	vperm.xlane v9, v5;
	v21 =	vperm.xlane v19, v6;
	v13, v11, _ =	vpop (xrf1)  }
0xbb: {  	v10 =	vor.u32 s18, v0;
	v17 =	vperm.xlane v9, v6;
	v15 =	vperm.xlane v11, v6;
	[tilespmem:v8+s9+$0x0] =	vst.idx.msk $0xff, v13  }
0xbc: {  	vm3 =	veq.f32 v9, v24;
	[tilespmem:v12+s9+$0x0] =	vst.idx.msk $0xff, v9;
	v24 =	vperm.xlane v13, v5;
	v25, v26, _ =	vpop (xrf1)  }
0xbd: {  	v18 =	vperm.xlane v19, v5;
	vm6 =	veq.f32 v9, v17;
	vm5 =	vgt.s32 v21, v19;
	v22, v14, _ =	vpop (xrf1)  }
0xbe: {  	v17 =	vperm.xlane v13, v6;
	vm2 =	vgt.s32 v15, v11;
	vm1 =	veq.f32 v13, v24  }
0xbf: {  	v16 =	vsel vm4, v20, v16;
	v28 =	vsel vm5, v21, v19;
	v9 =	vperm.xlane v22, v6;
	v23, v20, _ =	vpop (xrf1)  }
0xc0: {  	v24 =	vperm.xlane v22, v5;
	v21 =	vperm.xlane v23, v6;
	[tilespmem:v10+s9+$0x0] =	vst.idx.msk $0xff, v23;
	v29, v30, _ =	vpop (xrf1)  }
0xc1: {  	s18 =	sadd.s32 $0x18, s17;
	vm7 =	veq.f32 v22, v9;
	v25 =	vsel vm0, v25, v29;
	v29 =	vperm.xlane v14, v6  }
.Ltmp0:
0xc2: {  	v32 =	vperm.xlane v23, v5;
	v31 =	vperm.xlane v20, v6;
	v33 =	vsel vm0, v26, v30;
	(pc) =	sbr.rel @p0 .LBB2_2-.Ltmp0, $4  }
0xc3: {  	v9 =	vadd.s32 s18, v0;
	vm5 =	veq.f32 v23, v21;
	vm8 =	vgt.s32 v29, v14;
	(xrf1) =	vsort.dscd.msk.f32 $0xffff, v25, v33  }
0xc4: {  	s18 =	sadd.s32 $0x8, s17;
	v21 =	vperm.xlane v20, v5;
	vm4 =	veq.f32 v23, v32;
	vm9 =	vgt.s32 v31, v20;
	v30, v26, _ =	vpop (xrf1)  }
0xc5: {  	v23 =	vadd.s32 s18, v0;
	v25 =	vsel vm6, v28, v19;
	v32 =	vsel vm8, v29, v14;
	[tilespmem:v27+s10+$0x0] =	vst.idx.msk $0xff, v16;
	v27, v28, _ =	vpop (xrf1)  }
0xc6: {  	s16 =	sadd.s32 $0x400, s16;
	v29 =	vsel vm9, v31, v20;
	v16 =	vsel vm7, v32, v14;
	v27 =	vsel vm0, v27, v30  }
0xc7: {  	v26 =	vsel vm0, v28, v26  }
0xc8: {  	(xrf1) =	vsort.dscd.msk.f32 $0xffff, v27, v26;
	_ =	sdelay $0x1  }
0xc9: {  	v39 =	vsel vm5, v29, v20;
	vm15 =	vgt.s32 v19, v18;
	vm10 =	vgt.s32 v20, v21  }
0xca: {  	v44 =	vperm.xlane v14, v5;
	vm11 =	veq.f32 v13, v17;
	v45 =	vsel vm2, v15, v11  }
0xcb: {  	v46 =	vperm.xlane v11, v5;
	vm5 =	vmand vm3, vm15;
	vm3 =	veq.f32 v22, v24  }
0xcc: {  	[tilespmem:v9+s9+$0x0] =	vst.idx.msk $0xff, v22;
	vm2 =	vmand vm4, vm10;
	v13 =	vsel vm11, v45, v11;
	v43 =	vsel vm5, v18, v25  }
0xcd: {  	v49 =	vsel vm2, v21, v39;
	vm2 =	vgt.s32 v14, v44;
	vm12 =	vgt.s32 v11, v46;
	v26, v27, _ =	vpop (xrf1)  }
0xce: {  	[tilespmem:v12+s10+$0x0] =	vst.idx.msk $0xff, v43;
	vm1 =	vmand vm1, vm12;
	v40 =	vperm.xlane v27, v6;
	v30 =	vperm.xlane v27, v5  }
0xcf: {  	[tilespmem:v10+s10+$0x0] =	vst.idx.msk $0xff, v49;
	vm2 =	vmand vm3, vm2;
	v41 =	vperm.xlane v26, v6;
	v31 =	vperm.xlane v26, v5  }
0xd0: {  	[tilespmem:v23+s9+$0x0] =	vst.idx.msk $0xff, v26;
	v54 =	vsel vm1, v46, v13;
	v16 =	vsel vm2, v44, v16  }
0xd1: {  	v58 =	vor.u32 s14, v0;
	[tilespmem:v8+s10+$0x0] =	vst.idx.msk $0xff, v54;
	vm6 =	vgt.s32 v40, v27;
	vm7 =	vgt.s32 v27, v30  }
0xd2: {  	vm8 =	veq.f32 v26, v41;
	vm9 =	veq.f32 v26, v31;
	v42 =	vsel vm6, v40, v27;
	v48, v47, _ =	vpop (xrf1)  }
0xd3: {  	[tilespmem:v9+s10+$0x0] =	vst.idx.msk $0xff, v16;
	vm6 =	vmand vm9, vm7;
	v19 =	vsel vm8, v42, v27;
	v50 =	vperm.xlane v47, v6  }
0xd4: {  	v19 =	vsel vm6, v30, v19;
	v51 =	vperm.xlane v48, v5;
	v55 =	vperm.xlane v47, v5  }
0xd5: {  	v53 =	vadd.s32 s13, v0;
	[tilespmem:v23+s10+$0x0] =	vst.idx.msk $0xff, v19;
	v52 =	vperm.xlane v48, v6;
	vm13 =	vgt.s32 v50, v47;
	v57, v56, _ =	vpop (xrf1)  }
0xd6: {  	vm1 =	veq.f32 v48, v51;
	vm14 =	vgt.s32 v47, v55;
	v59 =	vperm.xlane v56, v6  }
0xd7: {  	[tilespmem:v58+s9+$0x0] =	vst.idx.msk $0xff, v48;
	v14 =	vsel vm13, v50, v47;
	vm1 =	vmand vm1, vm14;
	v8 =	vperm.xlane v57, v5  }
0xd8: {  	v60 =	vperm.xlane v57, v6;
	v61 =	vperm.xlane v56, v5;
	vm2 =	vgt.s32 v59, v56  }
0xd9: {  	vm3 =	veq.f32 v57, v8;
	v8 =	vsel vm2, v59, v56;
	vm2 =	veq.f32 v48, v52  }
0xda: {  	vm15 =	vgt.s32 v56, v61;
	v62 =	vsel vm2, v14, v47;
	vm2 =	veq.f32 v57, v60  }
0xdb: {  	[tilespmem:v53+s9+$0x0] =	vst.idx.msk $0xff, v57;
	v63 =	vsel vm1, v55, v62;
	v8 =	vsel vm2, v8, v56;
	vm1 =	vmand vm3, vm15  }
0xdc: {  	[tilespmem:v58+s10+$0x0] =	vst.idx.msk $0xff, v63;
	v8 =	vsel vm1, v61, v8  }
0xdd: {  	s13 =	simm.s32 $0x0;
	[tilespmem:v53+s10+$0x0] =	vst.idx.msk $0xff, v8  }
.LBB2_4:
0xde: {  	s14 =	sshra.s32 s13, $0x2  }
0xdf: {  	v8 =	vld [tilespmem:s14+$0x11000];
	_ =	sdelay $0x7  }
0xe0: {  	[tilespmem:v8+s11+$0x0] =	vst.idx.add.s32.msk $0xffff, v7  }
0xe1: {  	v8 =	vld [tilespmem:s14+$0x11010];
	_ =	sdelay $0x7  }
0xe2: {  	[tilespmem:v8+s11+$0x0] =	vst.idx.add.s32.msk $0xffff, v7  }
0xe3: {  	v8 =	vld [tilespmem:s14+$0x11020];
	_ =	sdelay $0x7  }
0xe4: {  	[tilespmem:v8+s11+$0x0] =	vst.idx.add.s32.msk $0xffff, v7  }
0xe5: {  	v8 =	vld [tilespmem:s14+$0x11030];
	_ =	sdelay $0x2  }
0xe6: {  	p0 =	sne.s32 s13, $0x3F00  }
.Ltmp1:
0xe7: {  	_ = 	snop;
	(pc) =	sbr.rel @p0 .LBB2_4-.Ltmp1, $2  }
0xe8: {  	_ =	sdelay $0x2  }
0xe9: {  	s13 =	sadd.s32 $0x100, s13;
	[tilespmem:v8+s11+$0x0] =	vst.idx.add.s32.msk $0xffff, v7  }
0xea: {  	[hbm4b:s4+s2] =	stream.linear.scatter [tilespmem:s9], [sflag:$0x1], $0x1000, $0x38;
	[tilespmem:$0x12080] =	vst v63  }
0xeb: {  	_ =	swait.ge [sflag:s8], $0x1000  }
0xec: {  	[sflag:s8] =	ssyncset.done $0x0  }
0xed: {  	[sflag:s8] =	ssyncadd.s32 $0xFFFFF000  }
0xee: {  	[hbm4b:s5+s2] =	stream.linear.scatter [tilespmem:s10], [sflag:$0x1], $0x1000, $0x38;
	[tilespmem:$0x12080] =	vst v63  }
0xef: {  	s12 =	sadd.s32 $0x1, s12;
	_ =	swait.ge [sflag:s8], $0x1000  }
0xf0: {  	p0 =	sne.s32 s12, s7;
	[sflag:s8] =	ssyncset.done $0x0  }
.Ltmp2:
0xf1: {  	[sflag:s8] =	ssyncadd.s32 $0xFFFFF000;
	(pc) =	sbr.rel @p0 .LBB2_1-.Ltmp2, $4  }
0xf2: {  	[hbm4b:s6+s2] =	stream.linear.scatter [tilespmem:s11], [sflag:$0x1], $0x80, $0x38;
	[tilespmem:$0x12080] =	vst v63  }
0xf3: {  	_ =	swait.ge [sflag:s8], $0x80  }
0xf4: {  	[sflag:s8] =	ssyncset.done $0x0  }
0xf5: {  	[sflag:s8] =	ssyncadd.s32 $0xFFFFFF80  }
0xf6: {  	_ =	sfence.sel $0x180000  }
0xf7: {  	[bflag:$0x0] =	sbarrier.arrive $0xFFFF  }
0xf8: {  	p0 =	sne.s32 s1, $0x0;
	_ =	strace $0x90000047  }
0xf9: {  	s0 =	sadd.s32 @!p0 $0x100000, s0;
	[bflag:$0x2] =	sbarrier.arrive $0xFFFF  }
0xfa: {  	[sflag:s0] =	ssyncadd.tile.s32 @!p0 $0x1;
	_ =	shalt  }
.Lfunc_end2:
_tile_overlayer_lowered:
.L_overlay_start_2:
0xfb: {  	(tag) =	ssettag $0x2  }
0xfc: {  	s0 =	rddreg [dreg:$0x0];
	s2 =	stileid.u32  }
0xfd: {  	s1 =	rddreg [dreg:$0x1];
	p0 =	sne.s32 s2, $0x0  }
0xfe: {  	s3 =	rddreg [dreg:$0x2];
	[bflag:$0x3] =	sbarrier.arrive $0xFFFF;
	s2 =	simm.s32 @!p0 $0x1C01  }
0xff: {  	[timem:s3], [sflag:s2] =	dma.local @!p0 [hbm:s0], s1  }
0x100: {  	s0 =	simm.s32 @!p0 $0x1  }
0x101: {  	_ =	swait.ge @!p0 [sflag:s0], s1  }
0x102: {  	s1 =	ssub.s32 @!p0 $0x0, s1;
	[sflag:s0] =	ssyncset.done @!p0 $0x0  }
0x103: {  	[sflag:s0] =	ssyncadd.s32 @!p0 s1  }
0x104: {  	[bflag:$0x3] =	sbarrier.arrive $0xFFFF  }
0x105: {  	_ =	shalt  }

</sc_bundles>
